<compile_context>
chip_gen: v7x
topology: tpu7x:2x2x1
jax: 0.10.2.dev20260603
libtpu: 0.0.44.dev20260713+nightly
codegen_flags: <defaults>
</compile_context>

<pallas_src>
import functools

import jax
import jax.numpy as jnp
from jax import lax
from jax.experimental import pallas as pl
from jax.experimental.pallas import tpu as pltpu
from jax.experimental.pallas import tpu_sc as plsc

N = 6000
E = 96000
D = 128
C = 10
NPAD = 6144

NC = 2
NS = 16
NW = NC * NS
EPW = E // NW
K = 120
NCH = EPW // K
NSC = 6144
RPT = NSC // NS

BN = 1000
BR = 512
CB = 512


def _sc_agg_body(feat, srcm, dstm, zfeat, ones_h, *refs, do_cnt):
    if do_cnt:
        psum, pcnt, acc, cnta, gidx, didx, rows, ones_v, gsem = refs
    else:
        psum, acc, gidx, didx, rows, gsem = refs
    c = lax.axis_index("c")
    s = lax.axis_index("s")
    wid = s * NC + c
    base = s * RPT
    pltpu.sync_copy(zfeat, acc.at[pl.ds(base, RPT)])
    if do_cnt:
        pltpu.sync_copy(zfeat, cnta.at[pl.ds(base, RPT)])
        pltpu.sync_copy(ones_h, ones_v)
    plsc.subcore_barrier()

    def body(j, carry):
        pltpu.sync_copy(srcm.at[wid, j], gidx)
        pltpu.sync_copy(dstm.at[wid, j], didx)
        pltpu.async_copy(feat.at[gidx], rows, gsem).wait()
        pltpu.sync_copy(rows, acc.at[didx], add=True)
        if do_cnt:
            pltpu.sync_copy(ones_v, cnta.at[didx], add=True)
        return carry

    lax.fori_loop(0, NCH, body, 0)
    plsc.subcore_barrier()
    pltpu.sync_copy(acc.at[pl.ds(base, RPT)], psum.at[c, pl.ds(base, RPT)])
    if do_cnt:
        pltpu.sync_copy(cnta.at[pl.ds(base, RPT)], pcnt.at[c, pl.ds(base, RPT)])


@functools.cache
def _get_sc_agg(do_cnt):
    psum_t = jax.ShapeDtypeStruct((NC, NSC, D), jnp.float32)
    out_type = (psum_t, psum_t) if do_cnt else psum_t
    scratch = [pltpu.VMEM_SHARED((NSC, D), jnp.float32)]
    if do_cnt:
        scratch.append(pltpu.VMEM_SHARED((NSC, D), jnp.float32))
    scratch += [
        pltpu.VMEM((K,), jnp.int32),
        pltpu.VMEM((K,), jnp.int32),
        pltpu.VMEM((K, D), jnp.float32),
    ]
    if do_cnt:
        scratch.append(pltpu.VMEM((K, D), jnp.float32))
    scratch.append(pltpu.SemaphoreType.DMA)
    return pl.kernel(
        functools.partial(_sc_agg_body, do_cnt=do_cnt),
        out_type=out_type,
        mesh=plsc.VectorSubcoreMesh(core_axis_name="c", subcore_axis_name="s"),
        scratch_types=scratch,
    )


def _sage_body(p, cn, xb, wlt, wrt, b, h_ref, *, relu):
    pb = p[...]
    cb = cn[...]
    cnt = jnp.maximum(cb[0][:, :1] + cb[1][:, :1], 1.0)
    agg = (pb[0] + pb[1]) / cnt
    y = jnp.dot(agg, wlt[...], preferred_element_type=jnp.float32)
    y = y + jnp.dot(xb[...], wrt[...], preferred_element_type=jnp.float32)
    y = y + b[...]
    if relu:
        y = jnp.maximum(y, 0.0)
    h_ref[...] = y


def _sage2_body(p, cn, xb, wlt, wrt, b, auxc, h_ref, hd_ref, hn_ref):
    pb = p[...]
    cb = cn[...]
    cnt = jnp.maximum(cb[0][:, :1] + cb[1][:, :1], 1.0)
    agg = (pb[0] + pb[1]) / cnt
    y = jnp.dot(agg, wlt[...], preferred_element_type=jnp.float32)
    y = y + jnp.dot(xb[...], wrt[...], preferred_element_type=jnp.float32)
    y = y + b[...]
    h_ref[...] = y
    hd_ref[...] = jnp.dot(y, auxc[...], preferred_element_type=jnp.float32)
    hn_ref[...] = jnp.sum(y * y, axis=1, keepdims=True)


_row_spec = pl.BlockSpec((BN, D), lambda i: (i, 0))
_psum_spec = pl.BlockSpec((NC, BN, D), lambda i: (0, i, 0))
_full_dd = pl.BlockSpec((D, D), lambda i: (0, 0))
_bias_spec = pl.BlockSpec((1, D), lambda i: (0, 0))

_sage1 = pl.pallas_call(
    functools.partial(_sage_body, relu=True),
    grid=(N // BN,),
    in_specs=[_psum_spec, _psum_spec, _row_spec,
              _full_dd, _full_dd, _bias_spec],
    out_specs=_row_spec,
    out_shape=jax.ShapeDtypeStruct((N, D), jnp.float32),
)

_sage2 = pl.pallas_call(
    _sage2_body,
    grid=(N // BN,),
    in_specs=[_psum_spec, _psum_spec, _row_spec,
              _full_dd, _full_dd, _bias_spec,
              pl.BlockSpec((D, 1), lambda i: (0, 0))],
    out_specs=(_row_spec,
               pl.BlockSpec((BN, 1), lambda i: (i, 0)),
               pl.BlockSpec((BN, 1), lambda i: (i, 0))),
    out_shape=(jax.ShapeDtypeStruct((N, D), jnp.float32),
               jax.ShapeDtypeStruct((N, 1), jnp.float32),
               jax.ShapeDtypeStruct((N, 1), jnp.float32)),
)


def _fused_body(hp, hrow, sdr, snr, sdT, snT, auxr, w1, w2, bcr, out_ref):
    eps = 1e-8
    a = auxr[...]
    an = jnp.maximum(jnp.sqrt(jnp.sum(a * a)), eps)
    sr = sdr[...] / (jnp.maximum(jnp.sqrt(snr[...]), eps) * an)
    sc = sdT[...] / (jnp.maximum(jnp.sqrt(snT[...]), eps) * an)
    acc = jnp.zeros((BR, D), jnp.float32)
    rs = jnp.zeros((BR, 1), jnp.float32)
    for t in range(NPAD // CB):
        dd = sc[:, t * CB:(t + 1) * CB] - sr
        kap = jnp.exp(-(dd * dd))
        acc = acc + jnp.dot(kap, hp[t * CB:(t + 1) * CB, :],
                            preferred_element_type=jnp.float32)
        rs = rs + jnp.sum(kap, axis=1, keepdims=True)
    z = acc / rs
    o = jnp.dot(hrow[...], w1[...], preferred_element_type=jnp.float32)
    o = o + jnp.dot(z, w2[...], preferred_element_type=jnp.float32)
    o = o + bcr[...]
    out_ref[...] = o


_fused = pl.pallas_call(
    _fused_body,
    grid=(NPAD // BR,),
    in_specs=[pl.BlockSpec((NPAD, D), lambda i: (0, 0)),
              pl.BlockSpec((BR, D), lambda i: (i, 0)),
              pl.BlockSpec((BR, 1), lambda i: (i, 0)),
              pl.BlockSpec((BR, 1), lambda i: (i, 0)),
              pl.BlockSpec((1, NPAD), lambda i: (0, 0)),
              pl.BlockSpec((1, NPAD), lambda i: (0, 0)),
              pl.BlockSpec((1, D), lambda i: (0, 0)),
              pl.BlockSpec((D, C), lambda i: (0, 0)),
              pl.BlockSpec((D, C), lambda i: (0, 0)),
              pl.BlockSpec((1, C), lambda i: (0, 0))],
    out_specs=pl.BlockSpec((BR, C), lambda i: (i, 0)),
    out_shape=jax.ShapeDtypeStruct((NPAD, C), jnp.float32),
)


def kernel(x, edge_index, W_l1, b_l1, W_r1, W_l2, b_l2, W_r2, aux, Wc, bc):
    src = edge_index[0].reshape(NW, NCH, K)
    dst = edge_index[1].reshape(NW, NCH, K)
    zfeat = jnp.zeros((RPT, D), jnp.float32)
    ones_h = jnp.ones((K, D), jnp.float32)

    psum1, pcnt = _get_sc_agg(True)(x, src, dst, zfeat, ones_h)
    h1 = _sage1(psum1, pcnt, x, W_l1.T, W_r1.T, b_l1.reshape(1, D))

    psum2 = _get_sc_agg(False)(h1, src, dst, zfeat, ones_h)
    h, hd, hn = _sage2(psum2, pcnt, h1, W_l2.T, W_r2.T, b_l2.reshape(1, D),
                       aux.reshape(D, 1))

    hp = jnp.pad(h, ((0, NPAD - N), (0, 0)))
    sdr = jnp.pad(hd, ((0, NPAD - N), (0, 0)), constant_values=1e30)
    snr = jnp.pad(hn, ((0, NPAD - N), (0, 0)), constant_values=1.0)
    out = _fused(hp, hp, sdr, snr, sdr.reshape(1, NPAD), snr.reshape(1, NPAD),
                 aux.reshape(1, D), Wc[:, :D].T, Wc[:, D:].T, bc.reshape(1, C))
    return out[:N]

# --- scband reference (transcript-rebuilt; emitter-appended) ---
"""Pipeline reference for scband-fed-aux-69475390980138 (READ-ONLY COPY).

The authoritative reference and input builder live on the scoring server;
editing this copy changes nothing except your own understanding.
"""

import jax, jax.numpy as jnp
import numpy as np

N = 6000
E = 96000
D = 128
C = 10
SIGMA = 1.0


def setup_inputs(seed: int = 0) -> dict:
    key = jax.random.key(seed)
    ks = jax.random.split(key, 12)
    s = 1.0 / np.sqrt(D)
    inp = {}
    inp['x'] = jax.random.normal(ks[0], (N, D), dtype=jnp.float32)
    inp['edge_index'] = jax.random.randint(ks[1], (2, E), 0, N, dtype=jnp.int32)
    # SAGEConv1: lin_l (neighbor aggregate, with bias), lin_r (root, no bias)
    inp['W_l1'] = jax.random.normal(ks[2], (D, D), dtype=jnp.float32) * s
    inp['b_l1'] = jnp.zeros((D,), dtype=jnp.float32)
    inp['W_r1'] = jax.random.normal(ks[3], (D, D), dtype=jnp.float32) * s
    # SAGEConv2
    inp['W_l2'] = jax.random.normal(ks[4], (D, D), dtype=jnp.float32) * s
    inp['b_l2'] = jnp.zeros((D,), dtype=jnp.float32)
    inp['W_r2'] = jax.random.normal(ks[5], (D, D), dtype=jnp.float32) * s
    # aux anchor parameter (init.uniform_ -> U[0,1))
    inp['aux'] = jax.random.uniform(ks[6], (D,), dtype=jnp.float32)
    # classifier Linear(2*D, C)
    inp['Wc'] = jax.random.normal(ks[7], (C, 2 * D), dtype=jnp.float32) * (1.0 / np.sqrt(2 * D))
    inp['bc'] = jnp.zeros((C,), dtype=jnp.float32)
    return inp


def _sage_conv(x, edge_index, W_l, b_l, W_r):
    # PyG SAGEConv (aggr='mean'): out = lin_l(mean_{j in N(i)} x_j) + lin_r(x_i)
    src = edge_index[0]
    dst = edge_index[1]
    msg = jnp.take(x, src, axis=0)
    agg_sum = jax.ops.segment_sum(msg, dst, num_segments=N)
    cnt = jax.ops.segment_sum(jnp.ones((msg.shape[0],), dtype=x.dtype), dst, num_segments=N)
    agg = agg_sum / jnp.maximum(cnt, 1.0)[:, None]
    return agg @ W_l.T + b_l + x @ W_r.T


def _kernel_aggregate(h, aux, sigma):
    # score = cosine_similarity(h, aux) with torch eps=1e-8
    hn = jnp.sqrt(jnp.sum(h * h, axis=-1))
    an = jnp.sqrt(jnp.sum(aux * aux))
    score = (h @ aux) / (jnp.maximum(hn, 1e-8) * jnp.maximum(an, 1e-8))
    # diff[i, j] = score[j] - score[i]
    diff = score[None, :] - score[:, None]
    # (original torch code has dead/buggy sparse-mask lines that are unused; skipped)
    kappa = jnp.exp(-(diff ** 2) / (sigma ** 2))
    z = (kappa @ h) / jnp.sum(kappa, axis=1, keepdims=True)
    return z


def reference(x, edge_index, W_l1, b_l1, W_r1, W_l2, b_l2, W_r2, aux, Wc, bc):
    h = jax.nn.relu(_sage_conv(x, edge_index, W_l1, b_l1, W_r1))
    # dropout is identity in eval mode
    h = _sage_conv(h, edge_index, W_l2, b_l2, W_r2)
    z = _kernel_aggregate(h, aux, SIGMA)
    out = jnp.concatenate([h, z], axis=-1) @ Wc.T + bc
    return out

if __name__ == "__main__":
    import jax
    _d = setup_inputs()
    print(jax.jit(kernel)(*tuple(_d.values())))

</pallas_src>

<mosaic_0001>
#map = affine_map<(d0, d1) -> (0, 0)>
#map1 = affine_map<(d0, d1) -> (0, 0, 0)>
module attributes {stable_mosaic.version = 14 : i64} {
  func.func @_sc_agg_body(%arg0: i32, %arg1: i32, %arg2: memref<6000x128xf32, #tpu.memory_space<hbm>>, %arg3: memref<32x25x120xi32, #tpu.memory_space<hbm>>, %arg4: memref<32x25x120xi32, #tpu.memory_space<hbm>>, %arg5: memref<384x128xf32, #tpu.memory_space<hbm>>, %arg6: memref<120x128xf32, #tpu.memory_space<hbm>>, %arg7: memref<2x6144x128xf32, #tpu.memory_space<hbm>>, %arg8: memref<2x6144x128xf32, #tpu.memory_space<hbm>>, %arg9: memref<6144x128xf32, #tpu.memory_space<vmem_shared>>, %arg10: memref<6144x128xf32, #tpu.memory_space<vmem_shared>>, %arg11: memref<120xi32, #tpu.memory_space<vmem>>, %arg12: memref<120xi32, #tpu.memory_space<vmem>>, %arg13: memref<120x128xf32, #tpu.memory_space<vmem>>, %arg14: memref<120x128xf32, #tpu.memory_space<vmem>>, %arg15: memref<!tpu.dma_semaphore, #tpu.memory_space<semaphore_mem>>) attributes {dimension_semantics = [#tpu.dimension_semantics<core_parallel>, #tpu.dimension_semantics<subcore_parallel>], iteration_bounds = array<i64: 2, 16>, scalar_prefetch = 0 : i64, scratch_operands = 7 : i64, tpu.core_type = #tpu.core_type<sc_vector_subcore>, window_params = [{transform_indices = #map}, {transform_indices = #map1}, {transform_indices = #map1}, {transform_indices = #map}, {transform_indices = #map}, {transform_indices = #map1}, {transform_indices = #map1}]} {
    %mul3A = arith.constant 2 : i32
    %mul3A_0 = arith.muli %arg1, %mul3A : i32
    %add3A = arith.addi %mul3A_0, %arg0 : i32
    %mul3A_1 = arith.constant 384 : i32
    %mul3A_2 = arith.muli %arg1, %mul3A_1 : i32
    "tpu.region"() ({
      %run_scoped3A = tpu.sem_alloc : memref<!tpu.dma_semaphore, #tpu.memory_space<semaphore_mem>>
      %dma_start3A = arith.constant 0 : i32
      %dma_start3A_9 = tpu.memref_slice %arg9[%mul3A_2, %dma_start3A] : memref<6144x128xf32, #tpu.memory_space<vmem_shared>> -> memref<384x128xf32, #tpu.memory_space<vmem_shared>>
      tpu.enqueue_dma source(%arg5 : memref<384x128xf32, #tpu.memory_space<hbm>>) target(%dma_start3A_9 : memref<384x128xf32, #tpu.memory_space<vmem_shared>>) target_semaphore(%run_scoped3A : memref<!tpu.dma_semaphore, #tpu.memory_space<semaphore_mem>>)
      %dma_wait3A = arith.constant 0 : i32
      %dma_wait3A_10 = tpu.memref_slice %arg9[%mul3A_2, %dma_wait3A] : memref<6144x128xf32, #tpu.memory_space<vmem_shared>> -> memref<384x128xf32, #tpu.memory_space<vmem_shared>>
      tpu.wait_dma2 semaphore(%run_scoped3A : memref<!tpu.dma_semaphore, #tpu.memory_space<semaphore_mem>>) src(%arg5 : memref<384x128xf32, #tpu.memory_space<hbm>>) dst(%dma_wait3A_10 : memref<384x128xf32, #tpu.memory_space<vmem_shared>>)
      tpu.yield
    }) : () -> ()
    "tpu.region"() ({
      %run_scoped3A = tpu.sem_alloc : memref<!tpu.dma_semaphore, #tpu.memory_space<semaphore_mem>>
      %dma_start3A = arith.constant 0 : i32
      %dma_start3A_9 = tpu.memref_slice %arg10[%mul3A_2, %dma_start3A] : memref<6144x128xf32, #tpu.memory_space<vmem_shared>> -> memref<384x128xf32, #tpu.memory_space<vmem_shared>>
      tpu.enqueue_dma source(%arg5 : memref<384x128xf32, #tpu.memory_space<hbm>>) target(%dma_start3A_9 : memref<384x128xf32, #tpu.memory_space<vmem_shared>>) target_semaphore(%run_scoped3A : memref<!tpu.dma_semaphore, #tpu.memory_space<semaphore_mem>>)
      %dma_wait3A = arith.constant 0 : i32
      %dma_wait3A_10 = tpu.memref_slice %arg10[%mul3A_2, %dma_wait3A] : memref<6144x128xf32, #tpu.memory_space<vmem_shared>> -> memref<384x128xf32, #tpu.memory_space<vmem_shared>>
      tpu.wait_dma2 semaphore(%run_scoped3A : memref<!tpu.dma_semaphore, #tpu.memory_space<semaphore_mem>>) src(%arg5 : memref<384x128xf32, #tpu.memory_space<hbm>>) dst(%dma_wait3A_10 : memref<384x128xf32, #tpu.memory_space<vmem_shared>>)
      tpu.yield
    }) : () -> ()
    "tpu.region"() ({
      %run_scoped3A = tpu.sem_alloc : memref<!tpu.dma_semaphore, #tpu.memory_space<semaphore_mem>>
      tpu.enqueue_dma source(%arg6 : memref<120x128xf32, #tpu.memory_space<hbm>>) target(%arg14 : memref<120x128xf32, #tpu.memory_space<vmem>>) target_semaphore(%run_scoped3A : memref<!tpu.dma_semaphore, #tpu.memory_space<semaphore_mem>>)
      tpu.wait_dma2 semaphore(%run_scoped3A : memref<!tpu.dma_semaphore, #tpu.memory_space<semaphore_mem>>) src(%arg6 : memref<120x128xf32, #tpu.memory_space<hbm>>) dst(%arg14 : memref<120x128xf32, #tpu.memory_space<vmem>>)
      tpu.yield
    }) : () -> ()
    %barrier3A = arith.constant 0 : index
    tpu.barrier barrier_id(%barrier3A)
    %scan3A = arith.constant 0 : i32
    %scan3A_3 = arith.constant 0 : i32
    %scan3A_4 = arith.constant 25 : i32
    %scan3A_5 = arith.addi %scan3A_3, %scan3A_4 : i32
    %scan3A_6 = arith.constant 1 : i32
    scf.for %scan3A_9 = %scan3A_3 to %scan3A_5 step %scan3A_6  : i32 {
      "tpu.region"() ({
        %run_scoped3A = tpu.sem_alloc : memref<!tpu.dma_semaphore, #tpu.memory_space<semaphore_mem>>
        %dma_start3A_14 = arith.constant 0 : i32
        %dma_start3A_15 = tpu.memref_slice %arg3[%add3A, %scan3A_9, %dma_start3A_14] : memref<32x25x120xi32, #tpu.memory_space<hbm>> -> memref<1x1x120xi32, #tpu.memory_space<hbm>>
        %dma_start3A_16 = tpu.memref_squeeze %dma_start3A_15 : memref<1x1x120xi32, #tpu.memory_space<hbm>> -> memref<120xi32, #tpu.memory_space<hbm>>
        %dma_start3A_17 = arith.constant 0 : i32
        %dma_start3A_18 = tpu.memref_slice %arg3[%add3A, %scan3A_9, %dma_start3A_17] : memref<32x25x120xi32, #tpu.memory_space<hbm>> -> memref<1x1x120xi32, #tpu.memory_space<hbm>>
        %dma_start3A_19 = tpu.memref_squeeze %dma_start3A_18 : memref<1x1x120xi32, #tpu.memory_space<hbm>> -> memref<120xi32, #tpu.memory_space<hbm>>
        tpu.enqueue_dma source(%dma_start3A_19 : memref<120xi32, #tpu.memory_space<hbm>>) target(%arg11 : memref<120xi32, #tpu.memory_space<vmem>>) target_semaphore(%run_scoped3A : memref<!tpu.dma_semaphore, #tpu.memory_space<semaphore_mem>>)
        %dma_wait3A_20 = arith.constant 0 : i32
        %dma_wait3A_21 = tpu.memref_slice %arg3[%add3A, %scan3A_9, %dma_wait3A_20] : memref<32x25x120xi32, #tpu.memory_space<hbm>> -> memref<1x1x120xi32, #tpu.memory_space<hbm>>
        %dma_wait3A_22 = tpu.memref_squeeze %dma_wait3A_21 : memref<1x1x120xi32, #tpu.memory_space<hbm>> -> memref<120xi32, #tpu.memory_space<hbm>>
        %dma_wait3A_23 = arith.constant 0 : i32
        %dma_wait3A_24 = tpu.memref_slice %arg3[%add3A, %scan3A_9, %dma_wait3A_23] : memref<32x25x120xi32, #tpu.memory_space<hbm>> -> memref<1x1x120xi32, #tpu.memory_space<hbm>>
        %dma_wait3A_25 = tpu.memref_squeeze %dma_wait3A_24 : memref<1x1x120xi32, #tpu.memory_space<hbm>> -> memref<120xi32, #tpu.memory_space<hbm>>
        tpu.wait_dma2 semaphore(%run_scoped3A : memref<!tpu.dma_semaphore, #tpu.memory_space<semaphore_mem>>) src(%dma_wait3A_25 : memref<120xi32, #tpu.memory_space<hbm>>) dst(%arg11 : memref<120xi32, #tpu.memory_space<vmem>>)
        tpu.yield
      }) : () -> ()
      "tpu.region"() ({
        %run_scoped3A = tpu.sem_alloc : memref<!tpu.dma_semaphore, #tpu.memory_space<semaphore_mem>>
        %dma_start3A_14 = arith.constant 0 : i32
        %dma_start3A_15 = tpu.memref_slice %arg4[%add3A, %scan3A_9, %dma_start3A_14] : memref<32x25x120xi32, #tpu.memory_space<hbm>> -> memref<1x1x120xi32, #tpu.memory_space<hbm>>
        %dma_start3A_16 = tpu.memref_squeeze %dma_start3A_15 : memref<1x1x120xi32, #tpu.memory_space<hbm>> -> memref<120xi32, #tpu.memory_space<hbm>>
        %dma_start3A_17 = arith.constant 0 : i32
        %dma_start3A_18 = tpu.memref_slice %arg4[%add3A, %scan3A_9, %dma_start3A_17] : memref<32x25x120xi32, #tpu.memory_space<hbm>> -> memref<1x1x120xi32, #tpu.memory_space<hbm>>
        %dma_start3A_19 = tpu.memref_squeeze %dma_start3A_18 : memref<1x1x120xi32, #tpu.memory_space<hbm>> -> memref<120xi32, #tpu.memory_space<hbm>>
        tpu.enqueue_dma source(%dma_start3A_19 : memref<120xi32, #tpu.memory_space<hbm>>) target(%arg12 : memref<120xi32, #tpu.memory_space<vmem>>) target_semaphore(%run_scoped3A : memref<!tpu.dma_semaphore, #tpu.memory_space<semaphore_mem>>)
        %dma_wait3A_20 = arith.constant 0 : i32
        %dma_wait3A_21 = tpu.memref_slice %arg4[%add3A, %scan3A_9, %dma_wait3A_20] : memref<32x25x120xi32, #tpu.memory_space<hbm>> -> memref<1x1x120xi32, #tpu.memory_space<hbm>>
        %dma_wait3A_22 = tpu.memref_squeeze %dma_wait3A_21 : memref<1x1x120xi32, #tpu.memory_space<hbm>> -> memref<120xi32, #tpu.memory_space<hbm>>
        %dma_wait3A_23 = arith.constant 0 : i32
        %dma_wait3A_24 = tpu.memref_slice %arg4[%add3A, %scan3A_9, %dma_wait3A_23] : memref<32x25x120xi32, #tpu.memory_space<hbm>> -> memref<1x1x120xi32, #tpu.memory_space<hbm>>
        %dma_wait3A_25 = tpu.memref_squeeze %dma_wait3A_24 : memref<1x1x120xi32, #tpu.memory_space<hbm>> -> memref<120xi32, #tpu.memory_space<hbm>>
        tpu.wait_dma2 semaphore(%run_scoped3A : memref<!tpu.dma_semaphore, #tpu.memory_space<semaphore_mem>>) src(%dma_wait3A_25 : memref<120xi32, #tpu.memory_space<hbm>>) dst(%arg12 : memref<120xi32, #tpu.memory_space<vmem>>)
        tpu.yield
      }) : () -> ()
      %dma_start3A = arith.constant 0 : i32
      %dma_start3A_10 = arith.constant 0 : i32
      %dma_start3A_11 = tpu.memref_slice %arg2[%dma_start3A, %dma_start3A_10] : memref<6000x128xf32, #tpu.memory_space<hbm>> -> memref<6000x128xf32, #tpu.memory_space<hbm>>
      tpu.enqueue_indirect_dma source(%dma_start3A_11 : memref<6000x128xf32, #tpu.memory_space<hbm>>) target(%arg13 : memref<120x128xf32, #tpu.memory_space<vmem>>) offsets(%arg11 : memref<120xi32, #tpu.memory_space<vmem>>) semaphore(%arg15 : memref<!tpu.dma_semaphore, #tpu.memory_space<semaphore_mem>>)
      %dma_wait3A = arith.constant 0 : i32
      %dma_wait3A_12 = arith.constant 0 : i32
      %dma_wait3A_13 = tpu.memref_slice %arg2[%dma_wait3A, %dma_wait3A_12] : memref<6000x128xf32, #tpu.memory_space<hbm>> -> memref<6000x128xf32, #tpu.memory_space<hbm>>
      tpu.wait_indirect_dma semaphore(%arg15 : memref<!tpu.dma_semaphore, #tpu.memory_space<semaphore_mem>>) src(%dma_wait3A_13 : memref<6000x128xf32, #tpu.memory_space<hbm>>) dst(%arg13 : memref<120x128xf32, #tpu.memory_space<vmem>>)
      "tpu.region"() ({
        %run_scoped3A = tpu.sem_alloc : memref<!tpu.dma_semaphore, #tpu.memory_space<semaphore_mem>>
        %dma_start3A_14 = arith.constant 0 : i32
        %dma_start3A_15 = arith.constant 0 : i32
        %dma_start3A_16 = tpu.memref_slice %arg9[%dma_start3A_14, %dma_start3A_15] : memref<6144x128xf32, #tpu.memory_space<vmem_shared>> -> memref<6144x128xf32, #tpu.memory_space<vmem_shared>>
        tpu.enqueue_indirect_dma source(%arg13 : memref<120x128xf32, #tpu.memory_space<vmem>>) target(%dma_start3A_16 : memref<6144x128xf32, #tpu.memory_space<vmem_shared>>) offsets(%arg12 : memref<120xi32, #tpu.memory_space<vmem>>) semaphore(%run_scoped3A : memref<!tpu.dma_semaphore, #tpu.memory_space<semaphore_mem>>) {add = true}
        %dma_wait3A_17 = arith.constant 0 : i32
        %dma_wait3A_18 = arith.constant 0 : i32
        %dma_wait3A_19 = tpu.memref_slice %arg9[%dma_wait3A_17, %dma_wait3A_18] : memref<6144x128xf32, #tpu.memory_space<vmem_shared>> -> memref<6144x128xf32, #tpu.memory_space<vmem_shared>>
        tpu.wait_indirect_dma semaphore(%run_scoped3A : memref<!tpu.dma_semaphore, #tpu.memory_space<semaphore_mem>>) src(%arg13 : memref<120x128xf32, #tpu.memory_space<vmem>>) dst(%dma_wait3A_19 : memref<6144x128xf32, #tpu.memory_space<vmem_shared>>)
        tpu.yield
      }) : () -> ()
      "tpu.region"() ({
        %run_scoped3A = tpu.sem_alloc : memref<!tpu.dma_semaphore, #tpu.memory_space<semaphore_mem>>
        %dma_start3A_14 = arith.constant 0 : i32
        %dma_start3A_15 = arith.constant 0 : i32
        %dma_start3A_16 = tpu.memref_slice %arg10[%dma_start3A_14, %dma_start3A_15] : memref<6144x128xf32, #tpu.memory_space<vmem_shared>> -> memref<6144x128xf32, #tpu.memory_space<vmem_shared>>
        tpu.enqueue_indirect_dma source(%arg14 : memref<120x128xf32, #tpu.memory_space<vmem>>) target(%dma_start3A_16 : memref<6144x128xf32, #tpu.memory_space<vmem_shared>>) offsets(%arg12 : memref<120xi32, #tpu.memory_space<vmem>>) semaphore(%run_scoped3A : memref<!tpu.dma_semaphore, #tpu.memory_space<semaphore_mem>>) {add = true}
        %dma_wait3A_17 = arith.constant 0 : i32
        %dma_wait3A_18 = arith.constant 0 : i32
        %dma_wait3A_19 = tpu.memref_slice %arg10[%dma_wait3A_17, %dma_wait3A_18] : memref<6144x128xf32, #tpu.memory_space<vmem_shared>> -> memref<6144x128xf32, #tpu.memory_space<vmem_shared>>
        tpu.wait_indirect_dma semaphore(%run_scoped3A : memref<!tpu.dma_semaphore, #tpu.memory_space<semaphore_mem>>) src(%arg14 : memref<120x128xf32, #tpu.memory_space<vmem>>) dst(%dma_wait3A_19 : memref<6144x128xf32, #tpu.memory_space<vmem_shared>>)
        tpu.yield
      }) : () -> ()
    }
    %scan3A_7 = arith.constant 25 : i32
    %barrier3A_8 = arith.constant 0 : index
    tpu.barrier barrier_id(%barrier3A_8)
    "tpu.region"() ({
      %run_scoped3A = tpu.sem_alloc : memref<!tpu.dma_semaphore, #tpu.memory_space<semaphore_mem>>
      %dma_start3A = arith.constant 0 : i32
      %dma_start3A_9 = tpu.memref_slice %arg7[%arg0, %mul3A_2, %dma_start3A] : memref<2x6144x128xf32, #tpu.memory_space<hbm>> -> memref<1x384x128xf32, #tpu.memory_space<hbm>>
      %dma_start3A_10 = tpu.memref_squeeze %dma_start3A_9 : memref<1x384x128xf32, #tpu.memory_space<hbm>> -> memref<384x128xf32, #tpu.memory_space<hbm>>
      %dma_start3A_11 = arith.constant 0 : i32
      %dma_start3A_12 = tpu.memref_slice %arg9[%mul3A_2, %dma_start3A_11] : memref<6144x128xf32, #tpu.memory_space<vmem_shared>> -> memref<384x128xf32, #tpu.memory_space<vmem_shared>>
      tpu.enqueue_dma source(%dma_start3A_12 : memref<384x128xf32, #tpu.memory_space<vmem_shared>>) target(%dma_start3A_10 : memref<384x128xf32, #tpu.memory_space<hbm>>) target_semaphore(%run_scoped3A : memref<!tpu.dma_semaphore, #tpu.memory_space<semaphore_mem>>)
      %dma_wait3A = arith.constant 0 : i32
      %dma_wait3A_13 = tpu.memref_slice %arg7[%arg0, %mul3A_2, %dma_wait3A] : memref<2x6144x128xf32, #tpu.memory_space<hbm>> -> memref<1x384x128xf32, #tpu.memory_space<hbm>>
      %dma_wait3A_14 = tpu.memref_squeeze %dma_wait3A_13 : memref<1x384x128xf32, #tpu.memory_space<hbm>> -> memref<384x128xf32, #tpu.memory_space<hbm>>
      %dma_wait3A_15 = arith.constant 0 : i32
      %dma_wait3A_16 = tpu.memref_slice %arg9[%mul3A_2, %dma_wait3A_15] : memref<6144x128xf32, #tpu.memory_space<vmem_shared>> -> memref<384x128xf32, #tpu.memory_space<vmem_shared>>
      tpu.wait_dma2 semaphore(%run_scoped3A : memref<!tpu.dma_semaphore, #tpu.memory_space<semaphore_mem>>) src(%dma_wait3A_16 : memref<384x128xf32, #tpu.memory_space<vmem_shared>>) dst(%dma_wait3A_14 : memref<384x128xf32, #tpu.memory_space<hbm>>)
      tpu.yield
    }) : () -> ()
    "tpu.region"() ({
      %run_scoped3A = tpu.sem_alloc : memref<!tpu.dma_semaphore, #tpu.memory_space<semaphore_mem>>
      %dma_start3A = arith.constant 0 : i32
      %dma_start3A_9 = tpu.memref_slice %arg8[%arg0, %mul3A_2, %dma_start3A] : memref<2x6144x128xf32, #tpu.memory_space<hbm>> -> memref<1x384x128xf32, #tpu.memory_space<hbm>>
      %dma_start3A_10 = tpu.memref_squeeze %dma_start3A_9 : memref<1x384x128xf32, #tpu.memory_space<hbm>> -> memref<384x128xf32, #tpu.memory_space<hbm>>
      %dma_start3A_11 = arith.constant 0 : i32
      %dma_start3A_12 = tpu.memref_slice %arg10[%mul3A_2, %dma_start3A_11] : memref<6144x128xf32, #tpu.memory_space<vmem_shared>> -> memref<384x128xf32, #tpu.memory_space<vmem_shared>>
      tpu.enqueue_dma source(%dma_start3A_12 : memref<384x128xf32, #tpu.memory_space<vmem_shared>>) target(%dma_start3A_10 : memref<384x128xf32, #tpu.memory_space<hbm>>) target_semaphore(%run_scoped3A : memref<!tpu.dma_semaphore, #tpu.memory_space<semaphore_mem>>)
      %dma_wait3A = arith.constant 0 : i32
      %dma_wait3A_13 = tpu.memref_slice %arg8[%arg0, %mul3A_2, %dma_wait3A] : memref<2x6144x128xf32, #tpu.memory_space<hbm>> -> memref<1x384x128xf32, #tpu.memory_space<hbm>>
      %dma_wait3A_14 = tpu.memref_squeeze %dma_wait3A_13 : memref<1x384x128xf32, #tpu.memory_space<hbm>> -> memref<384x128xf32, #tpu.memory_space<hbm>>
      %dma_wait3A_15 = arith.constant 0 : i32
      %dma_wait3A_16 = tpu.memref_slice %arg10[%mul3A_2, %dma_wait3A_15] : memref<6144x128xf32, #tpu.memory_space<vmem_shared>> -> memref<384x128xf32, #tpu.memory_space<vmem_shared>>
      tpu.wait_dma2 semaphore(%run_scoped3A : memref<!tpu.dma_semaphore, #tpu.memory_space<semaphore_mem>>) src(%dma_wait3A_16 : memref<384x128xf32, #tpu.memory_space<vmem_shared>>) dst(%dma_wait3A_14 : memref<384x128xf32, #tpu.memory_space<hbm>>)
      tpu.yield
    }) : () -> ()
    return
  }
}

#map = affine_map<(d0, d1) -> (0, 0)>
#map1 = affine_map<(d0, d1) -> (0, 0, 0)>
module attributes {stable_mosaic.version = 14 : i64} {
  func.func @_sc_agg_body(%arg0: i32, %arg1: i32, %arg2: memref<6000x128xf32, #tpu.memory_space<hbm>>, %arg3: memref<32x25x120xi32, #tpu.memory_space<hbm>>, %arg4: memref<32x25x120xi32, #tpu.memory_space<hbm>>, %arg5: memref<384x128xf32, #tpu.memory_space<hbm>>, %arg6: memref<120x128xf32, #tpu.memory_space<hbm>>, %arg7: memref<2x6144x128xf32, #tpu.memory_space<hbm>>, %arg8: memref<6144x128xf32, #tpu.memory_space<vmem_shared>>, %arg9: memref<120xi32, #tpu.memory_space<vmem>>, %arg10: memref<120xi32, #tpu.memory_space<vmem>>, %arg11: memref<120x128xf32, #tpu.memory_space<vmem>>, %arg12: memref<!tpu.dma_semaphore, #tpu.memory_space<semaphore_mem>>) attributes {dimension_semantics = [#tpu.dimension_semantics<core_parallel>, #tpu.dimension_semantics<subcore_parallel>], iteration_bounds = array<i64: 2, 16>, scalar_prefetch = 0 : i64, scratch_operands = 5 : i64, tpu.core_type = #tpu.core_type<sc_vector_subcore>, window_params = [{transform_indices = #map}, {transform_indices = #map1}, {transform_indices = #map1}, {transform_indices = #map}, {transform_indices = #map}, {transform_indices = #map1}]} {
    %mul3A = arith.constant 2 : i32
    %mul3A_0 = arith.muli %arg1, %mul3A : i32
    %add3A = arith.addi %mul3A_0, %arg0 : i32
    %mul3A_1 = arith.constant 384 : i32
    %mul3A_2 = arith.muli %arg1, %mul3A_1 : i32
    "tpu.region"() ({
      %run_scoped3A = tpu.sem_alloc : memref<!tpu.dma_semaphore, #tpu.memory_space<semaphore_mem>>
      %dma_start3A = arith.constant 0 : i32
      %dma_start3A_9 = tpu.memref_slice %arg8[%mul3A_2, %dma_start3A] : memref<6144x128xf32, #tpu.memory_space<vmem_shared>> -> memref<384x128xf32, #tpu.memory_space<vmem_shared>>
      tpu.enqueue_dma source(%arg5 : memref<384x128xf32, #tpu.memory_space<hbm>>) target(%dma_start3A_9 : memref<384x128xf32, #tpu.memory_space<vmem_shared>>) target_semaphore(%run_scoped3A : memref<!tpu.dma_semaphore, #tpu.memory_space<semaphore_mem>>)
      %dma_wait3A = arith.constant 0 : i32
      %dma_wait3A_10 = tpu.memref_slice %arg8[%mul3A_2, %dma_wait3A] : memref<6144x128xf32, #tpu.memory_space<vmem_shared>> -> memref<384x128xf32, #tpu.memory_space<vmem_shared>>
      tpu.wait_dma2 semaphore(%run_scoped3A : memref<!tpu.dma_semaphore, #tpu.memory_space<semaphore_mem>>) src(%arg5 : memref<384x128xf32, #tpu.memory_space<hbm>>) dst(%dma_wait3A_10 : memref<384x128xf32, #tpu.memory_space<vmem_shared>>)
      tpu.yield
    }) : () -> ()
    %barrier3A = arith.constant 0 : index
    tpu.barrier barrier_id(%barrier3A)
    %scan3A = arith.constant 0 : i32
    %scan3A_3 = arith.constant 0 : i32
    %scan3A_4 = arith.constant 25 : i32
    %scan3A_5 = arith.addi %scan3A_3, %scan3A_4 : i32
    %scan3A_6 = arith.constant 1 : i32
    scf.for %scan3A_9 = %scan3A_3 to %scan3A_5 step %scan3A_6  : i32 {
      "tpu.region"() ({
        %run_scoped3A = tpu.sem_alloc : memref<!tpu.dma_semaphore, #tpu.memory_space<semaphore_mem>>
        %dma_start3A_14 = arith.constant 0 : i32
        %dma_start3A_15 = tpu.memref_slice %arg3[%add3A, %scan3A_9, %dma_start3A_14] : memref<32x25x120xi32, #tpu.memory_space<hbm>> -> memref<1x1x120xi32, #tpu.memory_space<hbm>>
        %dma_start3A_16 = tpu.memref_squeeze %dma_start3A_15 : memref<1x1x120xi32, #tpu.memory_space<hbm>> -> memref<120xi32, #tpu.memory_space<hbm>>
        %dma_start3A_17 = arith.constant 0 : i32
        %dma_start3A_18 = tpu.memref_slice %arg3[%add3A, %scan3A_9, %dma_start3A_17] : memref<32x25x120xi32, #tpu.memory_space<hbm>> -> memref<1x1x120xi32, #tpu.memory_space<hbm>>
        %dma_start3A_19 = tpu.memref_squeeze %dma_start3A_18 : memref<1x1x120xi32, #tpu.memory_space<hbm>> -> memref<120xi32, #tpu.memory_space<hbm>>
        tpu.enqueue_dma source(%dma_start3A_19 : memref<120xi32, #tpu.memory_space<hbm>>) target(%arg9 : memref<120xi32, #tpu.memory_space<vmem>>) target_semaphore(%run_scoped3A : memref<!tpu.dma_semaphore, #tpu.memory_space<semaphore_mem>>)
        %dma_wait3A_20 = arith.constant 0 : i32
        %dma_wait3A_21 = tpu.memref_slice %arg3[%add3A, %scan3A_9, %dma_wait3A_20] : memref<32x25x120xi32, #tpu.memory_space<hbm>> -> memref<1x1x120xi32, #tpu.memory_space<hbm>>
        %dma_wait3A_22 = tpu.memref_squeeze %dma_wait3A_21 : memref<1x1x120xi32, #tpu.memory_space<hbm>> -> memref<120xi32, #tpu.memory_space<hbm>>
        %dma_wait3A_23 = arith.constant 0 : i32
        %dma_wait3A_24 = tpu.memref_slice %arg3[%add3A, %scan3A_9, %dma_wait3A_23] : memref<32x25x120xi32, #tpu.memory_space<hbm>> -> memref<1x1x120xi32, #tpu.memory_space<hbm>>
        %dma_wait3A_25 = tpu.memref_squeeze %dma_wait3A_24 : memref<1x1x120xi32, #tpu.memory_space<hbm>> -> memref<120xi32, #tpu.memory_space<hbm>>
        tpu.wait_dma2 semaphore(%run_scoped3A : memref<!tpu.dma_semaphore, #tpu.memory_space<semaphore_mem>>) src(%dma_wait3A_25 : memref<120xi32, #tpu.memory_space<hbm>>) dst(%arg9 : memref<120xi32, #tpu.memory_space<vmem>>)
        tpu.yield
      }) : () -> ()
      "tpu.region"() ({
        %run_scoped3A = tpu.sem_alloc : memref<!tpu.dma_semaphore, #tpu.memory_space<semaphore_mem>>
        %dma_start3A_14 = arith.constant 0 : i32
        %dma_start3A_15 = tpu.memref_slice %arg4[%add3A, %scan3A_9, %dma_start3A_14] : memref<32x25x120xi32, #tpu.memory_space<hbm>> -> memref<1x1x120xi32, #tpu.memory_space<hbm>>
        %dma_start3A_16 = tpu.memref_squeeze %dma_start3A_15 : memref<1x1x120xi32, #tpu.memory_space<hbm>> -> memref<120xi32, #tpu.memory_space<hbm>>
        %dma_start3A_17 = arith.constant 0 : i32
        %dma_start3A_18 = tpu.memref_slice %arg4[%add3A, %scan3A_9, %dma_start3A_17] : memref<32x25x120xi32, #tpu.memory_space<hbm>> -> memref<1x1x120xi32, #tpu.memory_space<hbm>>
        %dma_start3A_19 = tpu.memref_squeeze %dma_start3A_18 : memref<1x1x120xi32, #tpu.memory_space<hbm>> -> memref<120xi32, #tpu.memory_space<hbm>>
        tpu.enqueue_dma source(%dma_start3A_19 : memref<120xi32, #tpu.memory_space<hbm>>) target(%arg10 : memref<120xi32, #tpu.memory_space<vmem>>) target_semaphore(%run_scoped3A : memref<!tpu.dma_semaphore, #tpu.memory_space<semaphore_mem>>)
        %dma_wait3A_20 = arith.constant 0 : i32
        %dma_wait3A_21 = tpu.memref_slice %arg4[%add3A, %scan3A_9, %dma_wait3A_20] : memref<32x25x120xi32, #tpu.memory_space<hbm>> -> memref<1x1x120xi32, #tpu.memory_space<hbm>>
        %dma_wait3A_22 = tpu.memref_squeeze %dma_wait3A_21 : memref<1x1x120xi32, #tpu.memory_space<hbm>> -> memref<120xi32, #tpu.memory_space<hbm>>
        %dma_wait3A_23 = arith.constant 0 : i32
        %dma_wait3A_24 = tpu.memref_slice %arg4[%add3A, %scan3A_9, %dma_wait3A_23] : memref<32x25x120xi32, #tpu.memory_space<hbm>> -> memref<1x1x120xi32, #tpu.memory_space<hbm>>
        %dma_wait3A_25 = tpu.memref_squeeze %dma_wait3A_24 : memref<1x1x120xi32, #tpu.memory_space<hbm>> -> memref<120xi32, #tpu.memory_space<hbm>>
        tpu.wait_dma2 semaphore(%run_scoped3A : memref<!tpu.dma_semaphore, #tpu.memory_space<semaphore_mem>>) src(%dma_wait3A_25 : memref<120xi32, #tpu.memory_space<hbm>>) dst(%arg10 : memref<120xi32, #tpu.memory_space<vmem>>)
        tpu.yield
      }) : () -> ()
      %dma_start3A = arith.constant 0 : i32
      %dma_start3A_10 = arith.constant 0 : i32
      %dma_start3A_11 = tpu.memref_slice %arg2[%dma_start3A, %dma_start3A_10] : memref<6000x128xf32, #tpu.memory_space<hbm>> -> memref<6000x128xf32, #tpu.memory_space<hbm>>
      tpu.enqueue_indirect_dma source(%dma_start3A_11 : memref<6000x128xf32, #tpu.memory_space<hbm>>) target(%arg11 : memref<120x128xf32, #tpu.memory_space<vmem>>) offsets(%arg9 : memref<120xi32, #tpu.memory_space<vmem>>) semaphore(%arg12 : memref<!tpu.dma_semaphore, #tpu.memory_space<semaphore_mem>>)
      %dma_wait3A = arith.constant 0 : i32
      %dma_wait3A_12 = arith.constant 0 : i32
      %dma_wait3A_13 = tpu.memref_slice %arg2[%dma_wait3A, %dma_wait3A_12] : memref<6000x128xf32, #tpu.memory_space<hbm>> -> memref<6000x128xf32, #tpu.memory_space<hbm>>
      tpu.wait_indirect_dma semaphore(%arg12 : memref<!tpu.dma_semaphore, #tpu.memory_space<semaphore_mem>>) src(%dma_wait3A_13 : memref<6000x128xf32, #tpu.memory_space<hbm>>) dst(%arg11 : memref<120x128xf32, #tpu.memory_space<vmem>>)
      "tpu.region"() ({
        %run_scoped3A = tpu.sem_alloc : memref<!tpu.dma_semaphore, #tpu.memory_space<semaphore_mem>>
        %dma_start3A_14 = arith.constant 0 : i32
        %dma_start3A_15 = arith.constant 0 : i32
        %dma_start3A_16 = tpu.memref_slice %arg8[%dma_start3A_14, %dma_start3A_15] : memref<6144x128xf32, #tpu.memory_space<vmem_shared>> -> memref<6144x128xf32, #tpu.memory_space<vmem_shared>>
        tpu.enqueue_indirect_dma source(%arg11 : memref<120x128xf32, #tpu.memory_space<vmem>>) target(%dma_start3A_16 : memref<6144x128xf32, #tpu.memory_space<vmem_shared>>) offsets(%arg10 : memref<120xi32, #tpu.memory_space<vmem>>) semaphore(%run_scoped3A : memref<!tpu.dma_semaphore, #tpu.memory_space<semaphore_mem>>) {add = true}
        %dma_wait3A_17 = arith.constant 0 : i32
        %dma_wait3A_18 = arith.constant 0 : i32
        %dma_wait3A_19 = tpu.memref_slice %arg8[%dma_wait3A_17, %dma_wait3A_18] : memref<6144x128xf32, #tpu.memory_space<vmem_shared>> -> memref<6144x128xf32, #tpu.memory_space<vmem_shared>>
        tpu.wait_indirect_dma semaphore(%run_scoped3A : memref<!tpu.dma_semaphore, #tpu.memory_space<semaphore_mem>>) src(%arg11 : memref<120x128xf32, #tpu.memory_space<vmem>>) dst(%dma_wait3A_19 : memref<6144x128xf32, #tpu.memory_space<vmem_shared>>)
        tpu.yield
      }) : () -> ()
    }
    %scan3A_7 = arith.constant 25 : i32
    %barrier3A_8 = arith.constant 0 : index
    tpu.barrier barrier_id(%barrier3A_8)
    "tpu.region"() ({
      %run_scoped3A = tpu.sem_alloc : memref<!tpu.dma_semaphore, #tpu.memory_space<semaphore_mem>>
      %dma_start3A = arith.constant 0 : i32
      %dma_start3A_9 = tpu.memref_slice %arg7[%arg0, %mul3A_2, %dma_start3A] : memref<2x6144x128xf32, #tpu.memory_space<hbm>> -> memref<1x384x128xf32, #tpu.memory_space<hbm>>
      %dma_start3A_10 = tpu.memref_squeeze %dma_start3A_9 : memref<1x384x128xf32, #tpu.memory_space<hbm>> -> memref<384x128xf32, #tpu.memory_space<hbm>>
      %dma_start3A_11 = arith.constant 0 : i32
      %dma_start3A_12 = tpu.memref_slice %arg8[%mul3A_2, %dma_start3A_11] : memref<6144x128xf32, #tpu.memory_space<vmem_shared>> -> memref<384x128xf32, #tpu.memory_space<vmem_shared>>
      tpu.enqueue_dma source(%dma_start3A_12 : memref<384x128xf32, #tpu.memory_space<vmem_shared>>) target(%dma_start3A_10 : memref<384x128xf32, #tpu.memory_space<hbm>>) target_semaphore(%run_scoped3A : memref<!tpu.dma_semaphore, #tpu.memory_space<semaphore_mem>>)
      %dma_wait3A = arith.constant 0 : i32
      %dma_wait3A_13 = tpu.memref_slice %arg7[%arg0, %mul3A_2, %dma_wait3A] : memref<2x6144x128xf32, #tpu.memory_space<hbm>> -> memref<1x384x128xf32, #tpu.memory_space<hbm>>
      %dma_wait3A_14 = tpu.memref_squeeze %dma_wait3A_13 : memref<1x384x128xf32, #tpu.memory_space<hbm>> -> memref<384x128xf32, #tpu.memory_space<hbm>>
      %dma_wait3A_15 = arith.constant 0 : i32
      %dma_wait3A_16 = tpu.memref_slice %arg8[%mul3A_2, %dma_wait3A_15] : memref<6144x128xf32, #tpu.memory_space<vmem_shared>> -> memref<384x128xf32, #tpu.memory_space<vmem_shared>>
      tpu.wait_dma2 semaphore(%run_scoped3A : memref<!tpu.dma_semaphore, #tpu.memory_space<semaphore_mem>>) src(%dma_wait3A_16 : memref<384x128xf32, #tpu.memory_space<vmem_shared>>) dst(%dma_wait3A_14 : memref<384x128xf32, #tpu.memory_space<hbm>>)
      tpu.yield
    }) : () -> ()
    return
  }
}

module attributes {stable_mosaic.version = 14 : i64} {
  func.func @_sage_body(%arg0: i32, %arg1: memref<2x1000x128xf32, #tpu.memory_space<vmem>>, %arg2: memref<2x1000x128xf32, #tpu.memory_space<vmem>>, %arg3: memref<1000x128xf32, #tpu.memory_space<vmem>>, %arg4: memref<128x128xf32, #tpu.memory_space<vmem>>, %arg5: memref<128x128xf32, #tpu.memory_space<vmem>>, %arg6: memref<1x128xf32, #tpu.memory_space<vmem>>, %arg7: memref<1000x128xf32, #tpu.memory_space<vmem>>) attributes {dimension_semantics = [#tpu.dimension_semantics<arbitrary>], iteration_bounds = array<i64: 6>, scalar_prefetch = 0 : i64, scratch_operands = 0 : i64, tpu.core_type = #tpu.core_type<tc>, window_params = [{transform_indices = @transform_0, window_bounds = array<i64: 2, 1000, 128>}, {transform_indices = @transform_1, window_bounds = array<i64: 2, 1000, 128>}, {transform_indices = @transform_2, window_bounds = array<i64: 1000, 128>}, {pipeline_mode = #tpu.pipeline_mode<synchronous>, transform_indices = @transform_3, window_bounds = array<i64: 128, 128>}, {pipeline_mode = #tpu.pipeline_mode<synchronous>, transform_indices = @transform_4, window_bounds = array<i64: 128, 128>}, {pipeline_mode = #tpu.pipeline_mode<synchronous>, transform_indices = @transform_5, window_bounds = array<i64: 1, 128>}, {transform_indices = @transform_6, window_bounds = array<i64: 1000, 128>}]} {
    %get3A = arith.constant 0 : index
    %get3A_0 = arith.constant 0 : index
    %get3A_1 = arith.constant 0 : index
    %get3A_2 = vector.load %arg1[%get3A, %get3A_0, %get3A_1] : memref<2x1000x128xf32, #tpu.memory_space<vmem>>, vector<2x1000x128xf32>
    %get3A_3 = arith.constant 0 : index
    %get3A_4 = arith.constant 0 : index
    %get3A_5 = arith.constant 0 : index
    %get3A_6 = vector.load %arg2[%get3A_3, %get3A_4, %get3A_5] : memref<2x1000x128xf32, #tpu.memory_space<vmem>>, vector<2x1000x128xf32>
    %slice3A = vector.extract_strided_slice %get3A_6 {offsets = [0, 0, 0], sizes = [1, 1000, 128], strides = [1, 1, 1]} : vector<2x1000x128xf32> to vector<1x1000x128xf32>
    %squeeze3A = vector.shape_cast %slice3A : vector<1x1000x128xf32> to vector<1000x128xf32>
    %slice3A_7 = vector.extract_strided_slice %squeeze3A {offsets = [0, 0], sizes = [1000, 1], strides = [1, 1]} : vector<1000x128xf32> to vector<1000x1xf32>
    %slice3A_8 = vector.extract_strided_slice %get3A_6 {offsets = [1, 0, 0], sizes = [1, 1000, 128], strides = [1, 1, 1]} : vector<2x1000x128xf32> to vector<1x1000x128xf32>
    %squeeze3A_9 = vector.shape_cast %slice3A_8 : vector<1x1000x128xf32> to vector<1000x128xf32>
    %slice3A_10 = vector.extract_strided_slice %squeeze3A_9 {offsets = [0, 0], sizes = [1000, 1], strides = [1, 1]} : vector<1000x128xf32> to vector<1000x1xf32>
    %add3A = arith.addf %slice3A_7, %slice3A_10 : vector<1000x1xf32>
    %max3A = arith.constant 1.000000e+00 : f32
    %max3A_11 = vector.broadcast %max3A : f32 to vector<1000x1xf32>
    %max3A_12 = arith.maximumf %add3A, %max3A_11 : vector<1000x1xf32>
    %slice3A_13 = vector.extract_strided_slice %get3A_2 {offsets = [0, 0, 0], sizes = [1, 1000, 128], strides = [1, 1, 1]} : vector<2x1000x128xf32> to vector<1x1000x128xf32>
    %squeeze3A_14 = vector.shape_cast %slice3A_13 : vector<1x1000x128xf32> to vector<1000x128xf32>
    %slice3A_15 = vector.extract_strided_slice %get3A_2 {offsets = [1, 0, 0], sizes = [1, 1000, 128], strides = [1, 1, 1]} : vector<2x1000x128xf32> to vector<1x1000x128xf32>
    %squeeze3A_16 = vector.shape_cast %slice3A_15 : vector<1x1000x128xf32> to vector<1000x128xf32>
    %add3A_17 = arith.addf %squeeze3A_14, %squeeze3A_16 : vector<1000x128xf32>
    %div3A = vector.broadcast %max3A_12 : vector<1000x1xf32> to vector<1000x128xf32>
    %div3A_18 = arith.divf %add3A_17, %div3A : vector<1000x128xf32>
    %get3A_19 = arith.constant 0 : index
    %get3A_20 = arith.constant 0 : index
    %get3A_21 = vector.load %arg4[%get3A_19, %get3A_20] : memref<128x128xf32, #tpu.memory_space<vmem>>, vector<128x128xf32>
    %dot_general3A = arith.constant dense<0.000000e+00> : vector<1000x128xf32>
    %dot_general3A_22 = tpu.matmul %div3A_18, %get3A_21, %dot_general3A {dimension_numbers = #tpu.dot_dimension_numbers<[1], [0], [0], [1], [0, 0, 1, 1], [], []>, transpose_lhs_hint = false} : vector<1000x128xf32>, vector<128x128xf32>, vector<1000x128xf32> -> vector<1000x128xf32>
    %get3A_23 = arith.constant 0 : index
    %get3A_24 = arith.constant 0 : index
    %get3A_25 = vector.load %arg3[%get3A_23, %get3A_24] : memref<1000x128xf32, #tpu.memory_space<vmem>>, vector<1000x128xf32>
    %get3A_26 = arith.constant 0 : index
    %get3A_27 = arith.constant 0 : index
    %get3A_28 = vector.load %arg5[%get3A_26, %get3A_27] : memref<128x128xf32, #tpu.memory_space<vmem>>, vector<128x128xf32>
    %dot_general3A_29 = arith.constant dense<0.000000e+00> : vector<1000x128xf32>
    %dot_general3A_30 = tpu.matmul %get3A_25, %get3A_28, %dot_general3A_29 {dimension_numbers = #tpu.dot_dimension_numbers<[1], [0], [0], [1], [0, 0, 1, 1], [], []>, transpose_lhs_hint = false} : vector<1000x128xf32>, vector<128x128xf32>, vector<1000x128xf32> -> vector<1000x128xf32>
    %add3A_31 = arith.addf %dot_general3A_22, %dot_general3A_30 : vector<1000x128xf32>
    %get3A_32 = arith.constant 0 : index
    %get3A_33 = arith.constant 0 : index
    %get3A_34 = vector.load %arg6[%get3A_32, %get3A_33] : memref<1x128xf32, #tpu.memory_space<vmem>>, vector<1x128xf32>
    %add3A_35 = vector.broadcast %get3A_34 : vector<1x128xf32> to vector<1000x128xf32>
    %add3A_36 = arith.addf %add3A_31, %add3A_35 : vector<1000x128xf32>
    %max3A_37 = arith.constant 0.000000e+00 : f32
    %max3A_38 = vector.broadcast %max3A_37 : f32 to vector<1000x128xf32>
    %max3A_39 = arith.maximumf %add3A_36, %max3A_38 : vector<1000x128xf32>
    %swap3A = arith.constant 0 : index
    %swap3A_40 = arith.constant 0 : index
    %swap3A_41 = vector.load %arg7[%swap3A, %swap3A_40] : memref<1000x128xf32, #tpu.memory_space<vmem>>, vector<1000x128xf32>
    tpu.vector_store %arg7[%swap3A, %swap3A_40], %max3A_39 {strides = array<i32>} : memref<1000x128xf32, #tpu.memory_space<vmem>>, vector<1000x128xf32>,
    return
  }
  func.func @transform_0(%arg0: i32) -> (i32, i32, i32) {
    %c0_i32 = arith.constant 0 : i32
    %c0_i32_0 = arith.constant 0 : i32
    %c0_i32_1 = arith.constant 0 : i32
    return %c0_i32, %arg0, %c0_i32_0 : i32, i32, i32
  }
  func.func @transform_1(%arg0: i32) -> (i32, i32, i32) {
    %c0_i32 = arith.constant 0 : i32
    %c0_i32_0 = arith.constant 0 : i32
    %c0_i32_1 = arith.constant 0 : i32
    return %c0_i32, %arg0, %c0_i32_0 : i32, i32, i32
  }
  func.func @transform_2(%arg0: i32) -> (i32, i32) {
    %c0_i32 = arith.constant 0 : i32
    %c0_i32_0 = arith.constant 0 : i32
    return %arg0, %c0_i32 : i32, i32
  }
  func.func @transform_3(%arg0: i32) -> (i32, i32) {
    %c0_i32 = arith.constant 0 : i32
    %c0_i32_0 = arith.constant 0 : i32
    %c0_i32_1 = arith.constant 0 : i32
    return %c0_i32, %c0_i32_0 : i32, i32
  }
  func.func @transform_4(%arg0: i32) -> (i32, i32) {
    %c0_i32 = arith.constant 0 : i32
    %c0_i32_0 = arith.constant 0 : i32
    %c0_i32_1 = arith.constant 0 : i32
    return %c0_i32, %c0_i32_0 : i32, i32
  }
  func.func @transform_5(%arg0: i32) -> (i32, i32) {
    %c0_i32 = arith.constant 0 : i32
    %c0_i32_0 = arith.constant 0 : i32
    %c0_i32_1 = arith.constant 0 : i32
    return %c0_i32, %c0_i32_0 : i32, i32
  }
  func.func @transform_6(%arg0: i32) -> (i32, i32) {
    %c0_i32 = arith.constant 0 : i32
    %c0_i32_0 = arith.constant 0 : i32
    return %arg0, %c0_i32 : i32, i32
  }
}

module attributes {stable_mosaic.version = 14 : i64} {
  func.func @_sage2_body(%arg0: i32, %arg1: memref<2x1000x128xf32, #tpu.memory_space<vmem>>, %arg2: memref<2x1000x128xf32, #tpu.memory_space<vmem>>, %arg3: memref<1000x128xf32, #tpu.memory_space<vmem>>, %arg4: memref<128x128xf32, #tpu.memory_space<vmem>>, %arg5: memref<128x128xf32, #tpu.memory_space<vmem>>, %arg6: memref<1x128xf32, #tpu.memory_space<vmem>>, %arg7: memref<128x1xf32, #tpu.memory_space<vmem>>, %arg8: memref<1000x128xf32, #tpu.memory_space<vmem>>, %arg9: memref<1000x1xf32, #tpu.memory_space<vmem>>, %arg10: memref<1000x1xf32, #tpu.memory_space<vmem>>) attributes {dimension_semantics = [#tpu.dimension_semantics<arbitrary>], iteration_bounds = array<i64: 6>, scalar_prefetch = 0 : i64, scratch_operands = 0 : i64, tpu.core_type = #tpu.core_type<tc>, window_params = [{transform_indices = @transform_0, window_bounds = array<i64: 2, 1000, 128>}, {transform_indices = @transform_1, window_bounds = array<i64: 2, 1000, 128>}, {transform_indices = @transform_2, window_bounds = array<i64: 1000, 128>}, {pipeline_mode = #tpu.pipeline_mode<synchronous>, transform_indices = @transform_3, window_bounds = array<i64: 128, 128>}, {pipeline_mode = #tpu.pipeline_mode<synchronous>, transform_indices = @transform_4, window_bounds = array<i64: 128, 128>}, {pipeline_mode = #tpu.pipeline_mode<synchronous>, transform_indices = @transform_5, window_bounds = array<i64: 1, 128>}, {pipeline_mode = #tpu.pipeline_mode<synchronous>, transform_indices = @transform_6, window_bounds = array<i64: 128, 1>}, {transform_indices = @transform_7, window_bounds = array<i64: 1000, 128>}, {transform_indices = @transform_8, window_bounds = array<i64: 1000, 1>}, {transform_indices = @transform_9, window_bounds = array<i64: 1000, 1>}]} {
    %get3A = arith.constant 0 : index
    %get3A_0 = arith.constant 0 : index
    %get3A_1 = arith.constant 0 : index
    %get3A_2 = vector.load %arg1[%get3A, %get3A_0, %get3A_1] : memref<2x1000x128xf32, #tpu.memory_space<vmem>>, vector<2x1000x128xf32>
    %get3A_3 = arith.constant 0 : index
    %get3A_4 = arith.constant 0 : index
    %get3A_5 = arith.constant 0 : index
    %get3A_6 = vector.load %arg2[%get3A_3, %get3A_4, %get3A_5] : memref<2x1000x128xf32, #tpu.memory_space<vmem>>, vector<2x1000x128xf32>
    %slice3A = vector.extract_strided_slice %get3A_6 {offsets = [0, 0, 0], sizes = [1, 1000, 128], strides = [1, 1, 1]} : vector<2x1000x128xf32> to vector<1x1000x128xf32>
    %squeeze3A = vector.shape_cast %slice3A : vector<1x1000x128xf32> to vector<1000x128xf32>
    %slice3A_7 = vector.extract_strided_slice %squeeze3A {offsets = [0, 0], sizes = [1000, 1], strides = [1, 1]} : vector<1000x128xf32> to vector<1000x1xf32>
    %slice3A_8 = vector.extract_strided_slice %get3A_6 {offsets = [1, 0, 0], sizes = [1, 1000, 128], strides = [1, 1, 1]} : vector<2x1000x128xf32> to vector<1x1000x128xf32>
    %squeeze3A_9 = vector.shape_cast %slice3A_8 : vector<1x1000x128xf32> to vector<1000x128xf32>
    %slice3A_10 = vector.extract_strided_slice %squeeze3A_9 {offsets = [0, 0], sizes = [1000, 1], strides = [1, 1]} : vector<1000x128xf32> to vector<1000x1xf32>
    %add3A = arith.addf %slice3A_7, %slice3A_10 : vector<1000x1xf32>
    %max3A = arith.constant 1.000000e+00 : f32
    %max3A_11 = vector.broadcast %max3A : f32 to vector<1000x1xf32>
    %max3A_12 = arith.maximumf %add3A, %max3A_11 : vector<1000x1xf32>
    %slice3A_13 = vector.extract_strided_slice %get3A_2 {offsets = [0, 0, 0], sizes = [1, 1000, 128], strides = [1, 1, 1]} : vector<2x1000x128xf32> to vector<1x1000x128xf32>
    %squeeze3A_14 = vector.shape_cast %slice3A_13 : vector<1x1000x128xf32> to vector<1000x128xf32>
    %slice3A_15 = vector.extract_strided_slice %get3A_2 {offsets = [1, 0, 0], sizes = [1, 1000, 128], strides = [1, 1, 1]} : vector<2x1000x128xf32> to vector<1x1000x128xf32>
    %squeeze3A_16 = vector.shape_cast %slice3A_15 : vector<1x1000x128xf32> to vector<1000x128xf32>
    %add3A_17 = arith.addf %squeeze3A_14, %squeeze3A_16 : vector<1000x128xf32>
    %div3A = vector.broadcast %max3A_12 : vector<1000x1xf32> to vector<1000x128xf32>
    %div3A_18 = arith.divf %add3A_17, %div3A : vector<1000x128xf32>
    %get3A_19 = arith.constant 0 : index
    %get3A_20 = arith.constant 0 : index
    %get3A_21 = vector.load %arg4[%get3A_19, %get3A_20] : memref<128x128xf32, #tpu.memory_space<vmem>>, vector<128x128xf32>
    %dot_general3A = arith.constant dense<0.000000e+00> : vector<1000x128xf32>
    %dot_general3A_22 = tpu.matmul %div3A_18, %get3A_21, %dot_general3A {dimension_numbers = #tpu.dot_dimension_numbers<[1], [0], [0], [1], [0, 0, 1, 1], [], []>, transpose_lhs_hint = false} : vector<1000x128xf32>, vector<128x128xf32>, vector<1000x128xf32> -> vector<1000x128xf32>
    %get3A_23 = arith.constant 0 : index
    %get3A_24 = arith.constant 0 : index
    %get3A_25 = vector.load %arg3[%get3A_23, %get3A_24] : memref<1000x128xf32, #tpu.memory_space<vmem>>, vector<1000x128xf32>
    %get3A_26 = arith.constant 0 : index
    %get3A_27 = arith.constant 0 : index
    %get3A_28 = vector.load %arg5[%get3A_26, %get3A_27] : memref<128x128xf32, #tpu.memory_space<vmem>>, vector<128x128xf32>
    %dot_general3A_29 = arith.constant dense<0.000000e+00> : vector<1000x128xf32>
    %dot_general3A_30 = tpu.matmul %get3A_25, %get3A_28, %dot_general3A_29 {dimension_numbers = #tpu.dot_dimension_numbers<[1], [0], [0], [1], [0, 0, 1, 1], [], []>, transpose_lhs_hint = false} : vector<1000x128xf32>, vector<128x128xf32>, vector<1000x128xf32> -> vector<1000x128xf32>
    %add3A_31 = arith.addf %dot_general3A_22, %dot_general3A_30 : vector<1000x128xf32>
    %get3A_32 = arith.constant 0 : index
    %get3A_33 = arith.constant 0 : index
    %get3A_34 = vector.load %arg6[%get3A_32, %get3A_33] : memref<1x128xf32, #tpu.memory_space<vmem>>, vector<1x128xf32>
    %add3A_35 = vector.broadcast %get3A_34 : vector<1x128xf32> to vector<1000x128xf32>
    %add3A_36 = arith.addf %add3A_31, %add3A_35 : vector<1000x128xf32>
    %swap3A = arith.constant 0 : index
    %swap3A_37 = arith.constant 0 : index
    %swap3A_38 = vector.load %arg8[%swap3A, %swap3A_37] : memref<1000x128xf32, #tpu.memory_space<vmem>>, vector<1000x128xf32>
    tpu.vector_store %arg8[%swap3A, %swap3A_37], %add3A_36 {strides = array<i32>} : memref<1000x128xf32, #tpu.memory_space<vmem>>, vector<1000x128xf32>,
    %get3A_39 = arith.constant 0 : index
    %get3A_40 = arith.constant 0 : index
    %get3A_41 = vector.load %arg7[%get3A_39, %get3A_40] : memref<128x1xf32, #tpu.memory_space<vmem>>, vector<128x1xf32>
    %dot_general3A_42 = arith.constant dense<0.000000e+00> : vector<1000x1xf32>
    %dot_general3A_43 = tpu.matmul %add3A_36, %get3A_41, %dot_general3A_42 {dimension_numbers = #tpu.dot_dimension_numbers<[1], [0], [0], [1], [0, 0, 1, 1], [], []>, transpose_lhs_hint = false} : vector<1000x128xf32>, vector<128x1xf32>, vector<1000x1xf32> -> vector<1000x1xf32>
    %swap3A_44 = arith.constant 0 : index
    %swap3A_45 = arith.constant 0 : index
    %swap3A_46 = vector.load %arg9[%swap3A_44, %swap3A_45] : memref<1000x1xf32, #tpu.memory_space<vmem>>, vector<1000x1xf32>
    tpu.vector_store %arg9[%swap3A_44, %swap3A_45], %dot_general3A_43 {strides = array<i32>} : memref<1000x1xf32, #tpu.memory_space<vmem>>, vector<1000x1xf32>,
    %mul3A = arith.mulf %add3A_36, %add3A_36 : vector<1000x128xf32>
    %reduce_sum3A = arith.constant dense<0.000000e+00> : vector<1000xf32>
    %reduce_sum3A_47 = vector.multi_reduction <add>, %mul3A, %reduce_sum3A [1] : vector<1000x128xf32> to vector<1000xf32>
    %broadcast_in_dim3A = vector.shape_cast %reduce_sum3A_47 : vector<1000xf32> to vector<1000x1xf32>
    %swap3A_48 = arith.constant 0 : index
    %swap3A_49 = arith.constant 0 : index
    %swap3A_50 = vector.load %arg10[%swap3A_48, %swap3A_49] : memref<1000x1xf32, #tpu.memory_space<vmem>>, vector<1000x1xf32>
    tpu.vector_store %arg10[%swap3A_48, %swap3A_49], %broadcast_in_dim3A {strides = array<i32>} : memref<1000x1xf32, #tpu.memory_space<vmem>>, vector<1000x1xf32>,
    return
  }
  func.func @transform_0(%arg0: i32) -> (i32, i32, i32) {
    %c0_i32 = arith.constant 0 : i32
    %c0_i32_0 = arith.constant 0 : i32
    %c0_i32_1 = arith.constant 0 : i32
    return %c0_i32, %arg0, %c0_i32_0 : i32, i32, i32
  }
  func.func @transform_1(%arg0: i32) -> (i32, i32, i32) {
    %c0_i32 = arith.constant 0 : i32
    %c0_i32_0 = arith.constant 0 : i32
    %c0_i32_1 = arith.constant 0 : i32
    return %c0_i32, %arg0, %c0_i32_0 : i32, i32, i32
  }
  func.func @transform_2(%arg0: i32) -> (i32, i32) {
    %c0_i32 = arith.constant 0 : i32
    %c0_i32_0 = arith.constant 0 : i32
    return %arg0, %c0_i32 : i32, i32
  }
  func.func @transform_3(%arg0: i32) -> (i32, i32) {
    %c0_i32 = arith.constant 0 : i32
    %c0_i32_0 = arith.constant 0 : i32
    %c0_i32_1 = arith.constant 0 : i32
    return %c0_i32, %c0_i32_0 : i32, i32
  }
  func.func @transform_4(%arg0: i32) -> (i32, i32) {
    %c0_i32 = arith.constant 0 : i32
    %c0_i32_0 = arith.constant 0 : i32
    %c0_i32_1 = arith.constant 0 : i32
    return %c0_i32, %c0_i32_0 : i32, i32
  }
  func.func @transform_5(%arg0: i32) -> (i32, i32) {
    %c0_i32 = arith.constant 0 : i32
    %c0_i32_0 = arith.constant 0 : i32
    %c0_i32_1 = arith.constant 0 : i32
    return %c0_i32, %c0_i32_0 : i32, i32
  }
  func.func @transform_6(%arg0: i32) -> (i32, i32) {
    %c0_i32 = arith.constant 0 : i32
    %c0_i32_0 = arith.constant 0 : i32
    %c0_i32_1 = arith.constant 0 : i32
    return %c0_i32, %c0_i32_0 : i32, i32
  }
  func.func @transform_7(%arg0: i32) -> (i32, i32) {
    %c0_i32 = arith.constant 0 : i32
    %c0_i32_0 = arith.constant 0 : i32
    return %arg0, %c0_i32 : i32, i32
  }
  func.func @transform_8(%arg0: i32) -> (i32, i32) {
    %c0_i32 = arith.constant 0 : i32
    %c0_i32_0 = arith.constant 0 : i32
    return %arg0, %c0_i32 : i32, i32
  }
  func.func @transform_9(%arg0: i32) -> (i32, i32) {
    %c0_i32 = arith.constant 0 : i32
    %c0_i32_0 = arith.constant 0 : i32
    return %arg0, %c0_i32 : i32, i32
  }
}

module attributes {stable_mosaic.version = 14 : i64} {
  func.func @_fused_body(%arg0: i32, %arg1: memref<6144x128xf32, #tpu.memory_space<vmem>>, %arg2: memref<512x128xf32, #tpu.memory_space<vmem>>, %arg3: memref<512x1xf32, #tpu.memory_space<vmem>>, %arg4: memref<512x1xf32, #tpu.memory_space<vmem>>, %arg5: memref<1x6144xf32, #tpu.memory_space<vmem>>, %arg6: memref<1x6144xf32, #tpu.memory_space<vmem>>, %arg7: memref<1x128xf32, #tpu.memory_space<vmem>>, %arg8: memref<128x10xf32, #tpu.memory_space<vmem>>, %arg9: memref<128x10xf32, #tpu.memory_space<vmem>>, %arg10: memref<1x10xf32, #tpu.memory_space<vmem>>, %arg11: memref<512x10xf32, #tpu.memory_space<vmem>>) attributes {dimension_semantics = [#tpu.dimension_semantics<arbitrary>], iteration_bounds = array<i64: 12>, scalar_prefetch = 0 : i64, scratch_operands = 0 : i64, tpu.core_type = #tpu.core_type<tc>, window_params = [{pipeline_mode = #tpu.pipeline_mode<synchronous>, transform_indices = @transform_0, window_bounds = array<i64: 6144, 128>}, {transform_indices = @transform_1, window_bounds = array<i64: 512, 128>}, {transform_indices = @transform_2, window_bounds = array<i64: 512, 1>}, {transform_indices = @transform_3, window_bounds = array<i64: 512, 1>}, {pipeline_mode = #tpu.pipeline_mode<synchronous>, transform_indices = @transform_4, window_bounds = array<i64: 1, 6144>}, {pipeline_mode = #tpu.pipeline_mode<synchronous>, transform_indices = @transform_5, window_bounds = array<i64: 1, 6144>}, {pipeline_mode = #tpu.pipeline_mode<synchronous>, transform_indices = @transform_6, window_bounds = array<i64: 1, 128>}, {pipeline_mode = #tpu.pipeline_mode<synchronous>, transform_indices = @transform_7, window_bounds = array<i64: 128, 10>}, {pipeline_mode = #tpu.pipeline_mode<synchronous>, transform_indices = @transform_8, window_bounds = array<i64: 128, 10>}, {pipeline_mode = #tpu.pipeline_mode<synchronous>, transform_indices = @transform_9, window_bounds = array<i64: 1, 10>}, {transform_indices = @transform_10, window_bounds = array<i64: 512, 10>}]} {
    %get3A = arith.constant 0 : index
    %get3A_0 = arith.constant 0 : index
    %get3A_1 = vector.load %arg7[%get3A, %get3A_0] : memref<1x128xf32, #tpu.memory_space<vmem>>, vector<1x128xf32>
    %mul3A = arith.mulf %get3A_1, %get3A_1 : vector<1x128xf32>
    %reduce_sum3A = vector.shape_cast %mul3A : vector<1x128xf32> to vector<1x1x128xf32>
    %reduce_sum3A_2 = arith.constant dense<0.000000e+00> : vector<1xf32>
    %reduce_sum3A_3 = vector.multi_reduction <add>, %reduce_sum3A, %reduce_sum3A_2 [1, 2] : vector<1x1x128xf32> to vector<1xf32>
    %reduce_sum3A_4 = vector.shape_cast %reduce_sum3A_3 : vector<1xf32> to vector<1x1x1xf32>
    %reduce_sum3A_5 = vector.extract %reduce_sum3A_4[0, 0, 0] : f32 from vector<1x1x1xf32>
    %sqrt3A = math.sqrt %reduce_sum3A_5 : f32
    %max3A = arith.constant 9.99999993E-9 : f32
    %max3A_6 = arith.maximumf %sqrt3A, %max3A : f32
    %get3A_7 = arith.constant 0 : index
    %get3A_8 = arith.constant 0 : index
    %get3A_9 = vector.load %arg3[%get3A_7, %get3A_8] : memref<512x1xf32, #tpu.memory_space<vmem>>, vector<512x1xf32>
    %get3A_10 = arith.constant 0 : index
    %get3A_11 = arith.constant 0 : index
    %get3A_12 = vector.load %arg4[%get3A_10, %get3A_11] : memref<512x1xf32, #tpu.memory_space<vmem>>, vector<512x1xf32>
    %sqrt3A_13 = math.sqrt %get3A_12 : vector<512x1xf32>
    %max3A_14 = arith.constant 9.99999993E-9 : f32
    %max3A_15 = vector.broadcast %max3A_14 : f32 to vector<512x1xf32>
    %max3A_16 = arith.maximumf %sqrt3A_13, %max3A_15 : vector<512x1xf32>
    %mul3A_17 = vector.broadcast %max3A_6 : f32 to vector<512x1xf32>
    %mul3A_18 = arith.mulf %max3A_16, %mul3A_17 : vector<512x1xf32>
    %div3A = arith.divf %get3A_9, %mul3A_18 : vector<512x1xf32>
    %get3A_19 = arith.constant 0 : index
    %get3A_20 = arith.constant 0 : index
    %get3A_21 = vector.load %arg5[%get3A_19, %get3A_20] : memref<1x6144xf32, #tpu.memory_space<vmem>>, vector<1x6144xf32>
    %get3A_22 = arith.constant 0 : index
    %get3A_23 = arith.constant 0 : index
    %get3A_24 = vector.load %arg6[%get3A_22, %get3A_23] : memref<1x6144xf32, #tpu.memory_space<vmem>>, vector<1x6144xf32>
    %sqrt3A_25 = math.sqrt %get3A_24 : vector<1x6144xf32>
    %max3A_26 = arith.constant 9.99999993E-9 : f32
    %max3A_27 = vector.broadcast %max3A_26 : f32 to vector<1x6144xf32>
    %max3A_28 = arith.maximumf %sqrt3A_25, %max3A_27 : vector<1x6144xf32>
    %mul3A_29 = vector.broadcast %max3A_6 : f32 to vector<1x6144xf32>
    %mul3A_30 = arith.mulf %max3A_28, %mul3A_29 : vector<1x6144xf32>
    %div3A_31 = arith.divf %get3A_21, %mul3A_30 : vector<1x6144xf32>
    %broadcast_in_dim3A = arith.constant 0.000000e+00 : f32
    %broadcast_in_dim3A_32 = vector.broadcast %broadcast_in_dim3A : f32 to vector<512x128xf32>
    %broadcast_in_dim3A_33 = arith.constant 0.000000e+00 : f32
    %broadcast_in_dim3A_34 = vector.broadcast %broadcast_in_dim3A_33 : f32 to vector<512x1xf32>
    %slice3A = vector.extract_strided_slice %div3A_31 {offsets = [0, 0], sizes = [1, 512], strides = [1, 1]} : vector<1x6144xf32> to vector<1x512xf32>
    %sub3A = vector.broadcast %slice3A : vector<1x512xf32> to vector<512x512xf32>
    %sub3A_35 = vector.broadcast %div3A : vector<512x1xf32> to vector<512x512xf32>
    %sub3A_36 = arith.subf %sub3A, %sub3A_35 : vector<512x512xf32>
    %mul3A_37 = arith.mulf %sub3A_36, %sub3A_36 : vector<512x512xf32>
    %neg3A = arith.constant 0.000000e+00 : f32
    %neg3A_38 = vector.broadcast %neg3A : f32 to vector<512x512xf32>
    %neg3A_39 = arith.subf %neg3A_38, %mul3A_37 : vector<512x512xf32>
    %exp3A = math.exp %neg3A_39 : vector<512x512xf32>
    %get3A_40 = arith.constant 0 : index
    %get3A_41 = arith.constant 0 : index
    %get3A_42 = vector.load %arg1[%get3A_40, %get3A_41] : memref<6144x128xf32, #tpu.memory_space<vmem>>, vector<512x128xf32>
    %dot_general3A = arith.constant dense<0.000000e+00> : vector<512x128xf32>
    %dot_general3A_43 = tpu.matmul %exp3A, %get3A_42, %dot_general3A {dimension_numbers = #tpu.dot_dimension_numbers<[1], [0], [0], [1], [0, 0, 1, 1], [], []>, transpose_lhs_hint = false} : vector<512x512xf32>, vector<512x128xf32>, vector<512x128xf32> -> vector<512x128xf32>
    %add3A = arith.addf %broadcast_in_dim3A_32, %dot_general3A_43 : vector<512x128xf32>
    %reduce_sum3A_44 = arith.constant dense<0.000000e+00> : vector<512xf32>
    %reduce_sum3A_45 = vector.multi_reduction <add>, %exp3A, %reduce_sum3A_44 [1] : vector<512x512xf32> to vector<512xf32>
    %broadcast_in_dim3A_46 = vector.shape_cast %reduce_sum3A_45 : vector<512xf32> to vector<512x1xf32>
    %add3A_47 = arith.addf %broadcast_in_dim3A_34, %broadcast_in_dim3A_46 : vector<512x1xf32>
    %slice3A_48 = vector.extract_strided_slice %div3A_31 {offsets = [0, 512], sizes = [1, 512], strides = [1, 1]} : vector<1x6144xf32> to vector<1x512xf32>
    %sub3A_49 = vector.broadcast %slice3A_48 : vector<1x512xf32> to vector<512x512xf32>
    %sub3A_50 = vector.broadcast %div3A : vector<512x1xf32> to vector<512x512xf32>
    %sub3A_51 = arith.subf %sub3A_49, %sub3A_50 : vector<512x512xf32>
    %mul3A_52 = arith.mulf %sub3A_51, %sub3A_51 : vector<512x512xf32>
    %neg3A_53 = arith.constant 0.000000e+00 : f32
    %neg3A_54 = vector.broadcast %neg3A_53 : f32 to vector<512x512xf32>
    %neg3A_55 = arith.subf %neg3A_54, %mul3A_52 : vector<512x512xf32>
    %exp3A_56 = math.exp %neg3A_55 : vector<512x512xf32>
    %get3A_57 = arith.constant 512 : index
    %get3A_58 = arith.constant 0 : index
    %get3A_59 = vector.load %arg1[%get3A_57, %get3A_58] : memref<6144x128xf32, #tpu.memory_space<vmem>>, vector<512x128xf32>
    %dot_general3A_60 = arith.constant dense<0.000000e+00> : vector<512x128xf32>
    %dot_general3A_61 = tpu.matmul %exp3A_56, %get3A_59, %dot_general3A_60 {dimension_numbers = #tpu.dot_dimension_numbers<[1], [0], [0], [1], [0, 0, 1, 1], [], []>, transpose_lhs_hint = false} : vector<512x512xf32>, vector<512x128xf32>, vector<512x128xf32> -> vector<512x128xf32>
    %add3A_62 = arith.addf %add3A, %dot_general3A_61 : vector<512x128xf32>
    %reduce_sum3A_63 = arith.constant dense<0.000000e+00> : vector<512xf32>
    %reduce_sum3A_64 = vector.multi_reduction <add>, %exp3A_56, %reduce_sum3A_63 [1] : vector<512x512xf32> to vector<512xf32>
    %broadcast_in_dim3A_65 = vector.shape_cast %reduce_sum3A_64 : vector<512xf32> to vector<512x1xf32>
    %add3A_66 = arith.addf %add3A_47, %broadcast_in_dim3A_65 : vector<512x1xf32>
    %slice3A_67 = vector.extract_strided_slice %div3A_31 {offsets = [0, 1024], sizes = [1, 512], strides = [1, 1]} : vector<1x6144xf32> to vector<1x512xf32>
    %sub3A_68 = vector.broadcast %slice3A_67 : vector<1x512xf32> to vector<512x512xf32>
    %sub3A_69 = vector.broadcast %div3A : vector<512x1xf32> to vector<512x512xf32>
    %sub3A_70 = arith.subf %sub3A_68, %sub3A_69 : vector<512x512xf32>
    %mul3A_71 = arith.mulf %sub3A_70, %sub3A_70 : vector<512x512xf32>
    %neg3A_72 = arith.constant 0.000000e+00 : f32
    %neg3A_73 = vector.broadcast %neg3A_72 : f32 to vector<512x512xf32>
    %neg3A_74 = arith.subf %neg3A_73, %mul3A_71 : vector<512x512xf32>
    %exp3A_75 = math.exp %neg3A_74 : vector<512x512xf32>
    %get3A_76 = arith.constant 1024 : index
    %get3A_77 = arith.constant 0 : index
    %get3A_78 = vector.load %arg1[%get3A_76, %get3A_77] : memref<6144x128xf32, #tpu.memory_space<vmem>>, vector<512x128xf32>
    %dot_general3A_79 = arith.constant dense<0.000000e+00> : vector<512x128xf32>
    %dot_general3A_80 = tpu.matmul %exp3A_75, %get3A_78, %dot_general3A_79 {dimension_numbers = #tpu.dot_dimension_numbers<[1], [0], [0], [1], [0, 0, 1, 1], [], []>, transpose_lhs_hint = false} : vector<512x512xf32>, vector<512x128xf32>, vector<512x128xf32> -> vector<512x128xf32>
    %add3A_81 = arith.addf %add3A_62, %dot_general3A_80 : vector<512x128xf32>
    %reduce_sum3A_82 = arith.constant dense<0.000000e+00> : vector<512xf32>
    %reduce_sum3A_83 = vector.multi_reduction <add>, %exp3A_75, %reduce_sum3A_82 [1] : vector<512x512xf32> to vector<512xf32>
    %broadcast_in_dim3A_84 = vector.shape_cast %reduce_sum3A_83 : vector<512xf32> to vector<512x1xf32>
    %add3A_85 = arith.addf %add3A_66, %broadcast_in_dim3A_84 : vector<512x1xf32>
    %slice3A_86 = vector.extract_strided_slice %div3A_31 {offsets = [0, 1536], sizes = [1, 512], strides = [1, 1]} : vector<1x6144xf32> to vector<1x512xf32>
    %sub3A_87 = vector.broadcast %slice3A_86 : vector<1x512xf32> to vector<512x512xf32>
    %sub3A_88 = vector.broadcast %div3A : vector<512x1xf32> to vector<512x512xf32>
    %sub3A_89 = arith.subf %sub3A_87, %sub3A_88 : vector<512x512xf32>
    %mul3A_90 = arith.mulf %sub3A_89, %sub3A_89 : vector<512x512xf32>
    %neg3A_91 = arith.constant 0.000000e+00 : f32
    %neg3A_92 = vector.broadcast %neg3A_91 : f32 to vector<512x512xf32>
    %neg3A_93 = arith.subf %neg3A_92, %mul3A_90 : vector<512x512xf32>
    %exp3A_94 = math.exp %neg3A_93 : vector<512x512xf32>
    %get3A_95 = arith.constant 1536 : index
    %get3A_96 = arith.constant 0 : index
    %get3A_97 = vector.load %arg1[%get3A_95, %get3A_96] : memref<6144x128xf32, #tpu.memory_space<vmem>>, vector<512x128xf32>
    %dot_general3A_98 = arith.constant dense<0.000000e+00> : vector<512x128xf32>
    %dot_general3A_99 = tpu.matmul %exp3A_94, %get3A_97, %dot_general3A_98 {dimension_numbers = #tpu.dot_dimension_numbers<[1], [0], [0], [1], [0, 0, 1, 1], [], []>, transpose_lhs_hint = false} : vector<512x512xf32>, vector<512x128xf32>, vector<512x128xf32> -> vector<512x128xf32>
    %add3A_100 = arith.addf %add3A_81, %dot_general3A_99 : vector<512x128xf32>
    %reduce_sum3A_101 = arith.constant dense<0.000000e+00> : vector<512xf32>
    %reduce_sum3A_102 = vector.multi_reduction <add>, %exp3A_94, %reduce_sum3A_101 [1] : vector<512x512xf32> to vector<512xf32>
    %broadcast_in_dim3A_103 = vector.shape_cast %reduce_sum3A_102 : vector<512xf32> to vector<512x1xf32>
    %add3A_104 = arith.addf %add3A_85, %broadcast_in_dim3A_103 : vector<512x1xf32>
    %slice3A_105 = vector.extract_strided_slice %div3A_31 {offsets = [0, 2048], sizes = [1, 512], strides = [1, 1]} : vector<1x6144xf32> to vector<1x512xf32>
    %sub3A_106 = vector.broadcast %slice3A_105 : vector<1x512xf32> to vector<512x512xf32>
    %sub3A_107 = vector.broadcast %div3A : vector<512x1xf32> to vector<512x512xf32>
    %sub3A_108 = arith.subf %sub3A_106, %sub3A_107 : vector<512x512xf32>
    %mul3A_109 = arith.mulf %sub3A_108, %sub3A_108 : vector<512x512xf32>
    %neg3A_110 = arith.constant 0.000000e+00 : f32
    %neg3A_111 = vector.broadcast %neg3A_110 : f32 to vector<512x512xf32>
    %neg3A_112 = arith.subf %neg3A_111, %mul3A_109 : vector<512x512xf32>
    %exp3A_113 = math.exp %neg3A_112 : vector<512x512xf32>
    %get3A_114 = arith.constant 2048 : index
    %get3A_115 = arith.constant 0 : index
    %get3A_116 = vector.load %arg1[%get3A_114, %get3A_115] : memref<6144x128xf32, #tpu.memory_space<vmem>>, vector<512x128xf32>
    %dot_general3A_117 = arith.constant dense<0.000000e+00> : vector<512x128xf32>
    %dot_general3A_118 = tpu.matmul %exp3A_113, %get3A_116, %dot_general3A_117 {dimension_numbers = #tpu.dot_dimension_numbers<[1], [0], [0], [1], [0, 0, 1, 1], [], []>, transpose_lhs_hint = false} : vector<512x512xf32>, vector<512x128xf32>, vector<512x128xf32> -> vector<512x128xf32>
    %add3A_119 = arith.addf %add3A_100, %dot_general3A_118 : vector<512x128xf32>
    %reduce_sum3A_120 = arith.constant dense<0.000000e+00> : vector<512xf32>
    %reduce_sum3A_121 = vector.multi_reduction <add>, %exp3A_113, %reduce_sum3A_120 [1] : vector<512x512xf32> to vector<512xf32>
    %broadcast_in_dim3A_122 = vector.shape_cast %reduce_sum3A_121 : vector<512xf32> to vector<512x1xf32>
    %add3A_123 = arith.addf %add3A_104, %broadcast_in_dim3A_122 : vector<512x1xf32>
    %slice3A_124 = vector.extract_strided_slice %div3A_31 {offsets = [0, 2560], sizes = [1, 512], strides = [1, 1]} : vector<1x6144xf32> to vector<1x512xf32>
    %sub3A_125 = vector.broadcast %slice3A_124 : vector<1x512xf32> to vector<512x512xf32>
    %sub3A_126 = vector.broadcast %div3A : vector<512x1xf32> to vector<512x512xf32>
    %sub3A_127 = arith.subf %sub3A_125, %sub3A_126 : vector<512x512xf32>
    %mul3A_128 = arith.mulf %sub3A_127, %sub3A_127 : vector<512x512xf32>
    %neg3A_129 = arith.constant 0.000000e+00 : f32
    %neg3A_130 = vector.broadcast %neg3A_129 : f32 to vector<512x512xf32>
    %neg3A_131 = arith.subf %neg3A_130, %mul3A_128 : vector<512x512xf32>
    %exp3A_132 = math.exp %neg3A_131 : vector<512x512xf32>
    %get3A_133 = arith.constant 2560 : index
    %get3A_134 = arith.constant 0 : index
    %get3A_135 = vector.load %arg1[%get3A_133, %get3A_134] : memref<6144x128xf32, #tpu.memory_space<vmem>>, vector<512x128xf32>
    %dot_general3A_136 = arith.constant dense<0.000000e+00> : vector<512x128xf32>
    %dot_general3A_137 = tpu.matmul %exp3A_132, %get3A_135, %dot_general3A_136 {dimension_numbers = #tpu.dot_dimension_numbers<[1], [0], [0], [1], [0, 0, 1, 1], [], []>, transpose_lhs_hint = false} : vector<512x512xf32>, vector<512x128xf32>, vector<512x128xf32> -> vector<512x128xf32>
    %add3A_138 = arith.addf %add3A_119, %dot_general3A_137 : vector<512x128xf32>
    %reduce_sum3A_139 = arith.constant dense<0.000000e+00> : vector<512xf32>
    %reduce_sum3A_140 = vector.multi_reduction <add>, %exp3A_132, %reduce_sum3A_139 [1] : vector<512x512xf32> to vector<512xf32>
    %broadcast_in_dim3A_141 = vector.shape_cast %reduce_sum3A_140 : vector<512xf32> to vector<512x1xf32>
    %add3A_142 = arith.addf %add3A_123, %broadcast_in_dim3A_141 : vector<512x1xf32>
    %slice3A_143 = vector.extract_strided_slice %div3A_31 {offsets = [0, 3072], sizes = [1, 512], strides = [1, 1]} : vector<1x6144xf32> to vector<1x512xf32>
    %sub3A_144 = vector.broadcast %slice3A_143 : vector<1x512xf32> to vector<512x512xf32>
    %sub3A_145 = vector.broadcast %div3A : vector<512x1xf32> to vector<512x512xf32>
    %sub3A_146 = arith.subf %sub3A_144, %sub3A_145 : vector<512x512xf32>
    %mul3A_147 = arith.mulf %sub3A_146, %sub3A_146 : vector<512x512xf32>
    %neg3A_148 = arith.constant 0.000000e+00 : f32
    %neg3A_149 = vector.broadcast %neg3A_148 : f32 to vector<512x512xf32>
    %neg3A_150 = arith.subf %neg3A_149, %mul3A_147 : vector<512x512xf32>
    %exp3A_151 = math.exp %neg3A_150 : vector<512x512xf32>
    %get3A_152 = arith.constant 3072 : index
    %get3A_153 = arith.constant 0 : index
    %get3A_154 = vector.load %arg1[%get3A_152, %get3A_153] : memref<6144x128xf32, #tpu.memory_space<vmem>>, vector<512x128xf32>
    %dot_general3A_155 = arith.constant dense<0.000000e+00> : vector<512x128xf32>
    %dot_general3A_156 = tpu.matmul %exp3A_151, %get3A_154, %dot_general3A_155 {dimension_numbers = #tpu.dot_dimension_numbers<[1], [0], [0], [1], [0, 0, 1, 1], [], []>, transpose_lhs_hint = false} : vector<512x512xf32>, vector<512x128xf32>, vector<512x128xf32> -> vector<512x128xf32>
    %add3A_157 = arith.addf %add3A_138, %dot_general3A_156 : vector<512x128xf32>
    %reduce_sum3A_158 = arith.constant dense<0.000000e+00> : vector<512xf32>
    %reduce_sum3A_159 = vector.multi_reduction <add>, %exp3A_151, %reduce_sum3A_158 [1] : vector<512x512xf32> to vector<512xf32>
    %broadcast_in_dim3A_160 = vector.shape_cast %reduce_sum3A_159 : vector<512xf32> to vector<512x1xf32>
    %add3A_161 = arith.addf %add3A_142, %broadcast_in_dim3A_160 : vector<512x1xf32>
    %slice3A_162 = vector.extract_strided_slice %div3A_31 {offsets = [0, 3584], sizes = [1, 512], strides = [1, 1]} : vector<1x6144xf32> to vector<1x512xf32>
    %sub3A_163 = vector.broadcast %slice3A_162 : vector<1x512xf32> to vector<512x512xf32>
    %sub3A_164 = vector.broadcast %div3A : vector<512x1xf32> to vector<512x512xf32>
    %sub3A_165 = arith.subf %sub3A_163, %sub3A_164 : vector<512x512xf32>
    %mul3A_166 = arith.mulf %sub3A_165, %sub3A_165 : vector<512x512xf32>
    %neg3A_167 = arith.constant 0.000000e+00 : f32
    %neg3A_168 = vector.broadcast %neg3A_167 : f32 to vector<512x512xf32>
    %neg3A_169 = arith.subf %neg3A_168, %mul3A_166 : vector<512x512xf32>
    %exp3A_170 = math.exp %neg3A_169 : vector<512x512xf32>
    %get3A_171 = arith.constant 3584 : index
    %get3A_172 = arith.constant 0 : index
    %get3A_173 = vector.load %arg1[%get3A_171, %get3A_172] : memref<6144x128xf32, #tpu.memory_space<vmem>>, vector<512x128xf32>
    %dot_general3A_174 = arith.constant dense<0.000000e+00> : vector<512x128xf32>
    %dot_general3A_175 = tpu.matmul %exp3A_170, %get3A_173, %dot_general3A_174 {dimension_numbers = #tpu.dot_dimension_numbers<[1], [0], [0], [1], [0, 0, 1, 1], [], []>, transpose_lhs_hint = false} : vector<512x512xf32>, vector<512x128xf32>, vector<512x128xf32> -> vector<512x128xf32>
    %add3A_176 = arith.addf %add3A_157, %dot_general3A_175 : vector<512x128xf32>
    %reduce_sum3A_177 = arith.constant dense<0.000000e+00> : vector<512xf32>
    %reduce_sum3A_178 = vector.multi_reduction <add>, %exp3A_170, %reduce_sum3A_177 [1] : vector<512x512xf32> to vector<512xf32>
    %broadcast_in_dim3A_179 = vector.shape_cast %reduce_sum3A_178 : vector<512xf32> to vector<512x1xf32>
    %add3A_180 = arith.addf %add3A_161, %broadcast_in_dim3A_179 : vector<512x1xf32>
    %slice3A_181 = vector.extract_strided_slice %div3A_31 {offsets = [0, 4096], sizes = [1, 512], strides = [1, 1]} : vector<1x6144xf32> to vector<1x512xf32>
    %sub3A_182 = vector.broadcast %slice3A_181 : vector<1x512xf32> to vector<512x512xf32>
    %sub3A_183 = vector.broadcast %div3A : vector<512x1xf32> to vector<512x512xf32>
    %sub3A_184 = arith.subf %sub3A_182, %sub3A_183 : vector<512x512xf32>
    %mul3A_185 = arith.mulf %sub3A_184, %sub3A_184 : vector<512x512xf32>
    %neg3A_186 = arith.constant 0.000000e+00 : f32
    %neg3A_187 = vector.broadcast %neg3A_186 : f32 to vector<512x512xf32>
    %neg3A_188 = arith.subf %neg3A_187, %mul3A_185 : vector<512x512xf32>
    %exp3A_189 = math.exp %neg3A_188 : vector<512x512xf32>
    %get3A_190 = arith.constant 4096 : index
    %get3A_191 = arith.constant 0 : index
    %get3A_192 = vector.load %arg1[%get3A_190, %get3A_191] : memref<6144x128xf32, #tpu.memory_space<vmem>>, vector<512x128xf32>
    %dot_general3A_193 = arith.constant dense<0.000000e+00> : vector<512x128xf32>
    %dot_general3A_194 = tpu.matmul %exp3A_189, %get3A_192, %dot_general3A_193 {dimension_numbers = #tpu.dot_dimension_numbers<[1], [0], [0], [1], [0, 0, 1, 1], [], []>, transpose_lhs_hint = false} : vector<512x512xf32>, vector<512x128xf32>, vector<512x128xf32> -> vector<512x128xf32>
    %add3A_195 = arith.addf %add3A_176, %dot_general3A_194 : vector<512x128xf32>
    %reduce_sum3A_196 = arith.constant dense<0.000000e+00> : vector<512xf32>
    %reduce_sum3A_197 = vector.multi_reduction <add>, %exp3A_189, %reduce_sum3A_196 [1] : vector<512x512xf32> to vector<512xf32>
    %broadcast_in_dim3A_198 = vector.shape_cast %reduce_sum3A_197 : vector<512xf32> to vector<512x1xf32>
    %add3A_199 = arith.addf %add3A_180, %broadcast_in_dim3A_198 : vector<512x1xf32>
    %slice3A_200 = vector.extract_strided_slice %div3A_31 {offsets = [0, 4608], sizes = [1, 512], strides = [1, 1]} : vector<1x6144xf32> to vector<1x512xf32>
    %sub3A_201 = vector.broadcast %slice3A_200 : vector<1x512xf32> to vector<512x512xf32>
    %sub3A_202 = vector.broadcast %div3A : vector<512x1xf32> to vector<512x512xf32>
    %sub3A_203 = arith.subf %sub3A_201, %sub3A_202 : vector<512x512xf32>
    %mul3A_204 = arith.mulf %sub3A_203, %sub3A_203 : vector<512x512xf32>
    %neg3A_205 = arith.constant 0.000000e+00 : f32
    %neg3A_206 = vector.broadcast %neg3A_205 : f32 to vector<512x512xf32>
    %neg3A_207 = arith.subf %neg3A_206, %mul3A_204 : vector<512x512xf32>
    %exp3A_208 = math.exp %neg3A_207 : vector<512x512xf32>
    %get3A_209 = arith.constant 4608 : index
    %get3A_210 = arith.constant 0 : index
    %get3A_211 = vector.load %arg1[%get3A_209, %get3A_210] : memref<6144x128xf32, #tpu.memory_space<vmem>>, vector<512x128xf32>
    %dot_general3A_212 = arith.constant dense<0.000000e+00> : vector<512x128xf32>
    %dot_general3A_213 = tpu.matmul %exp3A_208, %get3A_211, %dot_general3A_212 {dimension_numbers = #tpu.dot_dimension_numbers<[1], [0], [0], [1], [0, 0, 1, 1], [], []>, transpose_lhs_hint = false} : vector<512x512xf32>, vector<512x128xf32>, vector<512x128xf32> -> vector<512x128xf32>
    %add3A_214 = arith.addf %add3A_195, %dot_general3A_213 : vector<512x128xf32>
    %reduce_sum3A_215 = arith.constant dense<0.000000e+00> : vector<512xf32>
    %reduce_sum3A_216 = vector.multi_reduction <add>, %exp3A_208, %reduce_sum3A_215 [1] : vector<512x512xf32> to vector<512xf32>
    %broadcast_in_dim3A_217 = vector.shape_cast %reduce_sum3A_216 : vector<512xf32> to vector<512x1xf32>
    %add3A_218 = arith.addf %add3A_199, %broadcast_in_dim3A_217 : vector<512x1xf32>
    %slice3A_219 = vector.extract_strided_slice %div3A_31 {offsets = [0, 5120], sizes = [1, 512], strides = [1, 1]} : vector<1x6144xf32> to vector<1x512xf32>
    %sub3A_220 = vector.broadcast %slice3A_219 : vector<1x512xf32> to vector<512x512xf32>
    %sub3A_221 = vector.broadcast %div3A : vector<512x1xf32> to vector<512x512xf32>
    %sub3A_222 = arith.subf %sub3A_220, %sub3A_221 : vector<512x512xf32>
    %mul3A_223 = arith.mulf %sub3A_222, %sub3A_222 : vector<512x512xf32>
    %neg3A_224 = arith.constant 0.000000e+00 : f32
    %neg3A_225 = vector.broadcast %neg3A_224 : f32 to vector<512x512xf32>
    %neg3A_226 = arith.subf %neg3A_225, %mul3A_223 : vector<512x512xf32>
    %exp3A_227 = math.exp %neg3A_226 : vector<512x512xf32>
    %get3A_228 = arith.constant 5120 : index
    %get3A_229 = arith.constant 0 : index
    %get3A_230 = vector.load %arg1[%get3A_228, %get3A_229] : memref<6144x128xf32, #tpu.memory_space<vmem>>, vector<512x128xf32>
    %dot_general3A_231 = arith.constant dense<0.000000e+00> : vector<512x128xf32>
    %dot_general3A_232 = tpu.matmul %exp3A_227, %get3A_230, %dot_general3A_231 {dimension_numbers = #tpu.dot_dimension_numbers<[1], [0], [0], [1], [0, 0, 1, 1], [], []>, transpose_lhs_hint = false} : vector<512x512xf32>, vector<512x128xf32>, vector<512x128xf32> -> vector<512x128xf32>
    %add3A_233 = arith.addf %add3A_214, %dot_general3A_232 : vector<512x128xf32>
    %reduce_sum3A_234 = arith.constant dense<0.000000e+00> : vector<512xf32>
    %reduce_sum3A_235 = vector.multi_reduction <add>, %exp3A_227, %reduce_sum3A_234 [1] : vector<512x512xf32> to vector<512xf32>
    %broadcast_in_dim3A_236 = vector.shape_cast %reduce_sum3A_235 : vector<512xf32> to vector<512x1xf32>
    %add3A_237 = arith.addf %add3A_218, %broadcast_in_dim3A_236 : vector<512x1xf32>
    %slice3A_238 = vector.extract_strided_slice %div3A_31 {offsets = [0, 5632], sizes = [1, 512], strides = [1, 1]} : vector<1x6144xf32> to vector<1x512xf32>
    %sub3A_239 = vector.broadcast %slice3A_238 : vector<1x512xf32> to vector<512x512xf32>
    %sub3A_240 = vector.broadcast %div3A : vector<512x1xf32> to vector<512x512xf32>
    %sub3A_241 = arith.subf %sub3A_239, %sub3A_240 : vector<512x512xf32>
    %mul3A_242 = arith.mulf %sub3A_241, %sub3A_241 : vector<512x512xf32>
    %neg3A_243 = arith.constant 0.000000e+00 : f32
    %neg3A_244 = vector.broadcast %neg3A_243 : f32 to vector<512x512xf32>
    %neg3A_245 = arith.subf %neg3A_244, %mul3A_242 : vector<512x512xf32>
    %exp3A_246 = math.exp %neg3A_245 : vector<512x512xf32>
    %get3A_247 = arith.constant 5632 : index
    %get3A_248 = arith.constant 0 : index
    %get3A_249 = vector.load %arg1[%get3A_247, %get3A_248] : memref<6144x128xf32, #tpu.memory_space<vmem>>, vector<512x128xf32>
    %dot_general3A_250 = arith.constant dense<0.000000e+00> : vector<512x128xf32>
    %dot_general3A_251 = tpu.matmul %exp3A_246, %get3A_249, %dot_general3A_250 {dimension_numbers = #tpu.dot_dimension_numbers<[1], [0], [0], [1], [0, 0, 1, 1], [], []>, transpose_lhs_hint = false} : vector<512x512xf32>, vector<512x128xf32>, vector<512x128xf32> -> vector<512x128xf32>
    %add3A_252 = arith.addf %add3A_233, %dot_general3A_251 : vector<512x128xf32>
    %reduce_sum3A_253 = arith.constant dense<0.000000e+00> : vector<512xf32>
    %reduce_sum3A_254 = vector.multi_reduction <add>, %exp3A_246, %reduce_sum3A_253 [1] : vector<512x512xf32> to vector<512xf32>
    %broadcast_in_dim3A_255 = vector.shape_cast %reduce_sum3A_254 : vector<512xf32> to vector<512x1xf32>
    %add3A_256 = arith.addf %add3A_237, %broadcast_in_dim3A_255 : vector<512x1xf32>
    %div3A_257 = vector.broadcast %add3A_256 : vector<512x1xf32> to vector<512x128xf32>
    %div3A_258 = arith.divf %add3A_252, %div3A_257 : vector<512x128xf32>
    %get3A_259 = arith.constant 0 : index
    %get3A_260 = arith.constant 0 : index
    %get3A_261 = vector.load %arg2[%get3A_259, %get3A_260] : memref<512x128xf32, #tpu.memory_space<vmem>>, vector<512x128xf32>
    %get3A_262 = arith.constant 0 : index
    %get3A_263 = arith.constant 0 : index
    %get3A_264 = vector.load %arg8[%get3A_262, %get3A_263] : memref<128x10xf32, #tpu.memory_space<vmem>>, vector<128x10xf32>
    %dot_general3A_265 = arith.constant dense<0.000000e+00> : vector<512x10xf32>
    %dot_general3A_266 = tpu.matmul %get3A_261, %get3A_264, %dot_general3A_265 {dimension_numbers = #tpu.dot_dimension_numbers<[1], [0], [0], [1], [0, 0, 1, 1], [], []>, transpose_lhs_hint = false} : vector<512x128xf32>, vector<128x10xf32>, vector<512x10xf32> -> vector<512x10xf32>
    %get3A_267 = arith.constant 0 : index
    %get3A_268 = arith.constant 0 : index
    %get3A_269 = vector.load %arg9[%get3A_267, %get3A_268] : memref<128x10xf32, #tpu.memory_space<vmem>>, vector<128x10xf32>
    %dot_general3A_270 = arith.constant dense<0.000000e+00> : vector<512x10xf32>
    %dot_general3A_271 = tpu.matmul %div3A_258, %get3A_269, %dot_general3A_270 {dimension_numbers = #tpu.dot_dimension_numbers<[1], [0], [0], [1], [0, 0, 1, 1], [], []>, transpose_lhs_hint = false} : vector<512x128xf32>, vector<128x10xf32>, vector<512x10xf32> -> vector<512x10xf32>
    %add3A_272 = arith.addf %dot_general3A_266, %dot_general3A_271 : vector<512x10xf32>
    %get3A_273 = arith.constant 0 : index
    %get3A_274 = arith.constant 0 : index
    %get3A_275 = vector.load %arg10[%get3A_273, %get3A_274] : memref<1x10xf32, #tpu.memory_space<vmem>>, vector<1x10xf32>
    %add3A_276 = vector.broadcast %get3A_275 : vector<1x10xf32> to vector<512x10xf32>
    %add3A_277 = arith.addf %add3A_272, %add3A_276 : vector<512x10xf32>
    %swap3A = arith.constant 0 : index
    %swap3A_278 = arith.constant 0 : index
    %swap3A_279 = vector.load %arg11[%swap3A, %swap3A_278] : memref<512x10xf32, #tpu.memory_space<vmem>>, vector<512x10xf32>
    tpu.vector_store %arg11[%swap3A, %swap3A_278], %add3A_277 {strides = array<i32>} : memref<512x10xf32, #tpu.memory_space<vmem>>, vector<512x10xf32>,
    return
  }
  func.func @transform_0(%arg0: i32) -> (i32, i32) {
    %c0_i32 = arith.constant 0 : i32
    %c0_i32_0 = arith.constant 0 : i32
    %c0_i32_1 = arith.constant 0 : i32
    return %c0_i32, %c0_i32_0 : i32, i32
  }
  func.func @transform_1(%arg0: i32) -> (i32, i32) {
    %c0_i32 = arith.constant 0 : i32
    %c0_i32_0 = arith.constant 0 : i32
    return %arg0, %c0_i32 : i32, i32
  }
  func.func @transform_2(%arg0: i32) -> (i32, i32) {
    %c0_i32 = arith.constant 0 : i32
    %c0_i32_0 = arith.constant 0 : i32
    return %arg0, %c0_i32 : i32, i32
  }
  func.func @transform_3(%arg0: i32) -> (i32, i32) {
    %c0_i32 = arith.constant 0 : i32
    %c0_i32_0 = arith.constant 0 : i32
    return %arg0, %c0_i32 : i32, i32
  }
  func.func @transform_4(%arg0: i32) -> (i32, i32) {
    %c0_i32 = arith.constant 0 : i32
    %c0_i32_0 = arith.constant 0 : i32
    %c0_i32_1 = arith.constant 0 : i32
    return %c0_i32, %c0_i32_0 : i32, i32
  }
  func.func @transform_5(%arg0: i32) -> (i32, i32) {
    %c0_i32 = arith.constant 0 : i32
    %c0_i32_0 = arith.constant 0 : i32
    %c0_i32_1 = arith.constant 0 : i32
    return %c0_i32, %c0_i32_0 : i32, i32
  }
  func.func @transform_6(%arg0: i32) -> (i32, i32) {
    %c0_i32 = arith.constant 0 : i32
    %c0_i32_0 = arith.constant 0 : i32
    %c0_i32_1 = arith.constant 0 : i32
    return %c0_i32, %c0_i32_0 : i32, i32
  }
  func.func @transform_7(%arg0: i32) -> (i32, i32) {
    %c0_i32 = arith.constant 0 : i32
    %c0_i32_0 = arith.constant 0 : i32
    %c0_i32_1 = arith.constant 0 : i32
    return %c0_i32, %c0_i32_0 : i32, i32
  }
  func.func @transform_8(%arg0: i32) -> (i32, i32) {
    %c0_i32 = arith.constant 0 : i32
    %c0_i32_0 = arith.constant 0 : i32
    %c0_i32_1 = arith.constant 0 : i32
    return %c0_i32, %c0_i32_0 : i32, i32
  }
  func.func @transform_9(%arg0: i32) -> (i32, i32) {
    %c0_i32 = arith.constant 0 : i32
    %c0_i32_0 = arith.constant 0 : i32
    %c0_i32_1 = arith.constant 0 : i32
    return %c0_i32, %c0_i32_0 : i32, i32
  }
  func.func @transform_10(%arg0: i32) -> (i32, i32) {
    %c0_i32 = arith.constant 0 : i32
    %c0_i32_0 = arith.constant 0 : i32
    return %arg0, %c0_i32 : i32, i32
  }
}

</mosaic_0001>

<sc_bundles>
// kernel: kernel.10.cloned.1.call-start
scs
__scs_entry_jumppad:
0x0: {  	(pc) =	sbr.rel $0x88, $3  }
0x1: {  	(tag) =	ssettag $0x0;
	lr =	simm.s32 $0x1  }
0x2: {  	[smem:$0x3F96] =	sst lr;
	_ =	strace $0xD0000000  }
0x3: {  	_ = 	snop  }
0x4: {  	_ = 	snop  }
0x5: {  	_ = 	snop  }
0x6: {  	_ = 	snop  }
0x7: {  	_ = 	snop  }
__scs_overlays_trampoline_lowered:
0x8: {  	[smem:$0x3FA5] =	sst s0  }
0x9: {  	[smem:$0x3FA6] =	sst s1  }
0xa: {  	[smem:$0x3FA7] =	sst s2  }
0xb: {  	[smem:$0x3FA8] =	sst s3  }
0xc: {  	[smem:$0x3FA9] =	sst s4  }
0xd: {  	[smem:$0x3FAA] =	sst s5  }
0xe: {  	[smem:$0x3FAB] =	sst s6  }
0xf: {  	[smem:$0x3FAC] =	sst s7  }
0x10: {  	[smem:$0x3FAD] =	sst s8  }
0x11: {  	[smem:$0x3FAE] =	sst s9;
	s0 =	simm.s32 @!p0 $0x0  }
0x12: {  	s1 =	sld [smem:$0x3F94];
	s0 =	simm.s32 @p0 $0x1  }
0x13: {  	[smem:$0x3FAF] =	sst s0;
	s0 =	simm.s32 @!p1 $0x0  }
0x14: {  	s2 =	sld [smem:$0x3F93];
	s0 =	simm.s32 @p1 $0x1  }
0x15: {  	[smem:$0x3FB0] =	sst s0;
	s0 =	simm.s32 @!p2 $0x0  }
0x16: {  	s3 =	sld [smem:$0x3FDB];
	s0 =	simm.s32 @p2 $0x1  }
0x17: {  	s4 =	simm.s32 $0x1BF5;
	[smem:$0x3FB2] =	sst s0  }
0x18: {  	s0 =	sld [smem:$0x3F95];
	_ =	swait.ge [sflag:s4], $0x0  }
0x19: {  	s7 =	sld [smem:$0x3F96]  }
0x1a: {  	s8 =	sadd.s32 $0xFFFFE003, lr  }
0x1b: {  	s9 =	sadd.s32 $0xFFFFFEF7, lr;
	s5 =	simm.s32 $0xFFFFFFFF;
	p2 =	slt.u32 s8, $0xFFFFF086  }
0x1c: {  	p1 =	slt.u32 s9, $0xF7A;
	s5 =	simm.s32 @!p2 $0x0  }
0x1d: {  	s5 =	simm.s32 @p1 $0x1;
	p0 =	seq.s32 s7, s2  }
0x1e: {  	s7 =	smul.u32 @!p0 $0xF7A, s2;
	p2 =	seq.s32 @!p0 s5, $0x0  }
0x1f: {  	s9 =	smul.u32 $0xF7A, s1;
	s8 =	simm.s32 @!p0 $0x1BF5;
	p2 =	por !p2, p0  }
0x20: {  	[sflag:s8] =	ssyncset.s32 @!p0 $0xFFFFF086;
	s6 =	sadd.s32 @!p0 s3, s7;
	s7 =	simm.s32 @!p0 $0x108  }
0x21: {  	s3 =	sadd.s32 s3, s9;
	s6 =	sadd.s32 @!p0 $0x88, s6;
	s7 =	simm.s32 @p2 $0x1082  }
0x22: {  	[simem:s7], [sflag:s8] =	dma.local @!p0 [hbm:s6], $0xF7A  }
0x23: {  	s9 =	sor.u32 $0xD0000000, s2;
	s6 =	simm.s32 $0x108;
	_ =	swait.ge @!p0 [sflag:s8], $0x0  }
0x24: {  	s3 =	sadd.s32 $0x88, s3;
	s6 =	simm.s32 @!p1 $0x1082;
	[sflag:s4] =	ssyncset.s32 $0xFFFFF086  }
0x25: {  	[simem:s6], [sflag:s4] =	dma.local [hbm:s3], $0xF7A  }
0x26: {  	[smem:$0x3F96] =	sst s1;
	(tag) =	ssettag s2;
	_ =	strace s9  }
0x27: {  	s1 =	sld [smem:$0x3FA6]  }
0x28: {  	s2 =	sld [smem:$0x3FA7]  }
0x29: {  	s4 =	sld [smem:$0x3FA9]  }
0x2a: {  	p0 =	seq.s32 s5, $0x0;
	s5 =	sld [smem:$0x3FAA]  }
0x2b: {  	s6 =	sld [smem:$0x3FAB]  }
0x2c: {  	s7 =	sld [smem:$0x3FAC]  }
0x2d: {  	s3 =	simm.s32 $0x108;
	s8 =	sld [smem:$0x3FAD]  }
0x2e: {  	s3 =	simm.s32 @!p0 $0x1082;
	s9 =	sld [smem:$0x3FAE]  }
0x2f: {  	lr =	sadd.s32 s0, s3;
	s0 =	sld [smem:$0x3FA5]  }
0x30: {  	s3 =	sld [smem:$0x3FA8]  }
0x31: {  	[smem:$0x3FB1] =	sst s10  }
0x32: {  	s10 =	sld [smem:$0x3FAF];
	_ =	sdelay $0x3  }
0x33: {  	p0 =	seq.s32 s10, $0x1;
	s10 =	sld [smem:$0x3FB1];
	_ =	sdelay $0x3  }
0x34: {  	[smem:$0x3FB1] =	sst s10  }
0x35: {  	s10 =	sld [smem:$0x3FB0];
	_ =	sdelay $0x3  }
0x36: {  	p1 =	seq.s32 s10, $0x1;
	s10 =	sld [smem:$0x3FB1];
	_ =	sdelay $0x3  }
0x37: {  	[smem:$0x3FB1] =	sst s10  }
0x38: {  	s10 =	sld [smem:$0x3FB2]  }
0x39: {  	_ = 	snop;
	(pc) =	sbr.ind lr, $3  }
0x3a: {  	_ = 	snop  }
0x3b: {  	_ = 	snop  }
0x3c: {  	p2 =	seq.s32 s10, $0x1;
	s10 =	sld [smem:$0x3FB1]  }
0x3d: {  	_ =	shalt  }
0x3e: {  	_ =	shalt  }
0x3f: {  	_ =	shalt  }
0x40: {  	_ =	shalt  }
0x41: {  	_ =	shalt  }
0x42: {  	_ =	shalt  }
0x43: {  	_ =	shalt  }
0x44: {  	_ =	shalt  }
0x45: {  	_ =	shalt  }
0x46: {  	_ =	shalt  }
0x47: {  	_ =	shalt  }
0x48: {  	_ =	shalt  }
0x49: {  	_ =	shalt  }
0x4a: {  	_ =	shalt  }
0x4b: {  	_ =	shalt  }
0x4c: {  	_ =	shalt  }
0x4d: {  	_ =	shalt  }
0x4e: {  	_ =	shalt  }
0x4f: {  	_ =	shalt  }
0x50: {  	_ =	shalt  }
0x51: {  	_ =	shalt  }
0x52: {  	_ =	shalt  }
0x53: {  	_ =	shalt  }
0x54: {  	_ =	shalt  }
0x55: {  	_ =	shalt  }
0x56: {  	_ =	shalt  }
0x57: {  	_ =	shalt  }
0x58: {  	_ =	shalt  }
0x59: {  	_ =	shalt  }
0x5a: {  	_ =	shalt  }
0x5b: {  	_ =	shalt  }
0x5c: {  	_ =	shalt  }
0x5d: {  	_ =	shalt  }
0x5e: {  	_ =	shalt  }
0x5f: {  	_ =	shalt  }
0x60: {  	_ =	shalt  }
0x61: {  	_ =	shalt  }
0x62: {  	_ =	shalt  }
0x63: {  	_ =	shalt  }
0x64: {  	_ =	shalt  }
0x65: {  	_ =	shalt  }
0x66: {  	_ =	shalt  }
0x67: {  	_ =	shalt  }
0x68: {  	_ =	shalt  }
0x69: {  	_ =	shalt  }
0x6a: {  	_ =	shalt  }
0x6b: {  	_ =	shalt  }
0x6c: {  	_ =	shalt  }
0x6d: {  	_ =	shalt  }
0x6e: {  	_ =	shalt  }
0x6f: {  	_ =	shalt  }
0x70: {  	_ =	shalt  }
0x71: {  	_ =	shalt  }
0x72: {  	_ =	shalt  }
0x73: {  	_ =	shalt  }
0x74: {  	_ =	shalt  }
0x75: {  	_ =	shalt  }
0x76: {  	_ =	shalt  }
0x77: {  	_ =	shalt  }
0x78: {  	_ =	shalt  }
0x79: {  	_ =	shalt  }
0x7a: {  	_ =	shalt  }
0x7b: {  	_ =	shalt  }
0x7c: {  	_ =	shalt  }
0x7d: {  	_ =	shalt  }
0x7e: {  	_ =	shalt  }
0x7f: {  	_ =	shalt  }
0x80: {  	_ =	shalt  }
0x81: {  	_ =	shalt  }
0x82: {  	_ =	shalt  }
0x83: {  	_ =	shalt  }
0x84: {  	_ =	shalt  }
0x85: {  	_ =	shalt  }
0x86: {  	_ =	shalt  }
0x87: {  	_ =	shalt  }
.Lfunc_end0:
.L_simem_size_0:
called_computation.1_lowered:
.L_overlay_start_0:
0x88: {  	s2 =	sld [smem:$0x3FD9]  }
0x89: {  	s3 =	sld [smem:$0x3FFE];
	_ =	sdelay $0x1  }
0x8a: {  	s1 =	srdreg.scid  }
0x8b: {  	s0 =	sand.u32 $0x1, s1  }
0x8c: {  	s17 =	sshll.u32 s0, $0xA;
	s2 =	sadd.s32 s3, s2  }
0x8d: {  	s2 =	sadd.s32 s2, s17  }
0x8e: {  	[smem:$0x3FBD] =	sst s2  }
0x8f: {  	_ = 	snop  }
0x90: {  	s2 =	sld [smem:$0x3FD0];
	(tm) =	ssettm $0x1  }
0x91: {  	s18 =	sld [smem:$0x3FFB];
	_ =	sdelay $0x3  }
0x92: {  	_ =	strace s18  }
0x93: {  	s3 =	sld [smem:$0x3FFC];
	_ =	sdelay $0x3  }
0x94: {  	_ =	strace s3  }
0x95: {  	s3 =	sld [smem:$0x3FFD];
	_ =	sdelay $0x3  }
0x96: {  	_ =	strace s3  }
0x97: {  	_ =	strace $0x8FFFFFFF  }
0x98: {  	s19 =	sld [smem:$0x3FDB];
	_ =	sdelay $0x1  }
0x99: {  	s4 =	simm.s32 $_scs_section_size  }
0x9a: {  	s5 =	simm.s32 $_size__tile_overlayer_lowered;
	s6 =	simm.s32 $_tile_overlayer_lowered  }
0x9b: {  	s22 =	simm.s32 $0x1BFF;
	s21 =	sshll.u32 s6, $0x1;
	s3 =	sadd.s32 s4, s19  }
0x9c: {  	s7 =	simm.s32 $0x0;
	s20 =	sshll.u32 s5, $0x1;
	s5 =	sadd.s32 s21, s3  }
0x9d: {  	[timem:s7], [sflag:s22] =	dma.local [hbm:s5], s20  }
0x9e: {  	_ =	swait.ge [sflag:s22], s20  }
0x9f: {  	s4 =	ssub.s32 $0x0, s20;
	[sflag:s22] =	ssyncset.done $0x0  }
0xa0: {  	[sflag:s22] =	ssyncadd.s32 s4;
	_ =	sdelay $0x1  }
0xa1: {  	s23 =	simm.s32 $0x1B8B  }
0xa2: {  	_ =	swait.ge [sflag:s23], $0x1  }
0xa3: {  	[sflag:s23] =	ssyncset.done $0x0  }
0xa4: {  	s25 =	simm.s32 $0x1B8E;
	s24 =	sld [smem:$0x3FFE];
	[sflag:s23] =	ssyncadd.s32 $0xFFFFFFFF  }
0xa5: {  	s26 =	simm.s32 $execute0_lowered;
	[smem:$0x3FD2] =	sst s25  }
0xa6: {  	s5 =	sshll.u32 s26, $0x1;
	_ =	strace $0x80000049;
	[dreg:$0x1] =	wrdreg $0xFFFFFFFF  }
0xa7: {  	s28 =	simm.s32 $_size_execute0_lowered;
	s3 =	sadd.s32 s3, s5;
	[dreg:$0x0] =	wrdreg $0x0  }
0xa8: {  	s5 =	sshll.u32 s28, $0x1;
	[dreg:$0x2] =	wrdreg s3  }
0xa9: {  	[dreg:$0x3] =	wrdreg s5  }
0xaa: {  	[dreg:$0x4] =	wrdreg $0xC0  }
0xab: {  	_ =	task [dreg:s7], $0x5FFFF  }
0xac: {  	[dreg:$0x1] =	wrdreg $0xFFFFFFFF  }
0xad: {  	[dreg:$0x0] =	wrdreg $0x60  }
0xae: {  	[dreg:$0x2] =	wrdreg s24  }
0xaf: {  	[dreg:$0x3] =	wrdreg s2  }
0xb0: {  	[dreg:$0x4] =	wrdreg $0x0  }
0xb1: {  	[dreg:$0x5] =	wrdreg $0x9  }
0xb2: {  	_ =	task.clear_ibuf [dreg:s7], $0x6FFFF;
	_ =	strace $0x90000049  }
0xb3: {  	s29 =	simm.s32 $0x9;
	_ =	strace $0x8000004B  }
0xb4: {  	_ =	swait.ge [sflag:s29], $0x1  }
0xb5: {  	[sflag:s29] =	ssyncadd.s32 $0xFFFFFFFF  }
0xb6: {  	_ =	strace $0x9000004B  }
0xb7: {  	_ =	sfence  }
0xb8: {  	s30 =	sld [smem:$0x0];
	_ =	sdelay $0x2  }
0xb9: {  	s31 =	sshll.u32 s1, $0xD;
	s1 =	sshrl.u32 s1, $0x2  }
0xba: {  	s3 =	sand.u32 $0x4000, s31;
	s1 =	sadd.s32 s1, s30  }
0xbb: {  	s0 =	sor.u32 s3, s0;
	s1 =	sshll.u32 s1, $0x11  }
0xbc: {  	s0 =	sor.u32 s1, s0  }
0xbd: {  	s0 =	sadd.s32 $0x8F2B, s0  }
0xbe: {  	[sflag:s0] =	ssyncadd.remote.s32 $0x1  }
0xbf: {  	_ =	sfence.sel $0xFFFF  }
0xc0: {  	[dreg:$0x0] =	wrdreg $0xFFFFFFFF;
	(pc) =	sbr.abs _section_cstart, $3  }
0xc1: {  	[dreg:$0x1] =	wrdreg $0xFFFFFFFF  }
0xc2: {  	_ =	task.clear_ibuf [dreg:s7], $0x2FFFF;
	_ =	strace $0x9FFFFFFF  }
0xc3: {  	(tm) =	ssettm $0x7FFFFFFF  }
tec
execute0_lowered:
.L_overlay_start_1:
0x0: {  	(tag) =	ssettag $0x1  }
0x1: {  	s6 =	rddreg [dreg:$0x0]  }
0x2: {  	s1 =	rddreg [dreg:$0x1]  }
0x3: {  	s2 =	rddreg [dreg:$0x2];
	s3 =	srdreg.scid  }
0x4: {  	s0 =	rddreg [dreg:$0x3];
	s4 =	simm.s32 $0x0;
	s13 =	simm.s32 $0xC000  }
0x5: {  	s14 =	simm.s32 $0xC080;
	s15 =	simm.s32 $0x78;
	s16 =	simm.s32 $0xC100  }
0x6: {  	s17 =	simm.s32 $0x1;
	s7 =	sand.u32 $0x1, s3;
	s3 =	stileid.u32  }
0x7: {  	s18 =	simm.s32 $0x0;
	[smem:$0x7FF] =	sst s4;
	s8 =	smul.u32 $0xC0000, s7  }
0x8: {  	s5 =	sadd.s32 $0xA400, s6;
	s9 =	smul.u32 $0xC000, s3;
	_ =	strace $0x8000004A  }
0x9: {  	s10 =	sshll.u32 s3, $0xA;
	s29 =	ssub.s32 $0x2, s7;
	s12 =	smul.u32 $0x30000, s3  }
0xa: {  	s31 =	sshll.u32 s3, $0x6;
	s7 =	sshll.u32 s7, $0x9;
	s11 =	sshrl.u32 s29, $0x1  }
0xb: {  	s10 =	sadd.s32 s10, s6;
	s8 =	sadd.s32 s9, s8;
	s9 =	ssub.s32 s29, s11  }
0xc: {  	s30 =	sshrl.u32 s12, $0x2;
	s10 =	sadd.s32 s7, s10;
	s8 =	sshrl.u32 s8, $0x3  }
0xd: {  	s12 =	sadd.s32 s30, s2;
	s8 =	sadd.s32 s8, s6;
	s6 =	sor.u32 $0x1C02, s31  }
0xe: {  	s11 =	sshrl.u32 s12, $0x3;
	s12 =	simm.s32 $0x2;
	s7 =	sadd.s32 $0x6A400, s8  }
0xf: {  	s8 =	smax.u32 s9, $0x1;
	s9 =	sadd.s32 $0x1C00, s10;
	s10 =	sadd.s32 $0x5C00, s10  }
.LBB2_1:
0x10: {  	[spmem:s11], [sflag:s6] =	dma.local [hbm:s1], $0x1800  }
0x11: {  	_ =	swait.ge [sflag:s12], $0x1800  }
0x12: {  	[sflag:s12] =	ssyncset.done $0x0  }
0x13: {  	[sflag:s12] =	ssyncadd.s32 $0xFFFFE800  }
0x14: {  	s19 =	sadd.s32 $0x0, s9;
	[bflag:$0x0] =	sbarrier.arrive $0xFFFF  }
0x15: {  	[tilespmem:s13], [sflag:$0x2] =	stream.linear.gather [hbm4b:s19+s4], $0x80, $0x38;
	[tilespmem:$0xFD00] =	vst v63  }
0x16: {  	_ =	swait.ge [sflag:s12], $0x80  }
0x17: {  	[sflag:s12] =	ssyncset.done $0x0  }
0x18: {  	s31 =	sadd.s32 $0x0, s10;
	[sflag:s12] =	ssyncadd.s32 $0xFFFFFF80  }
0x19: {  	[tilespmem:s14], [sflag:$0x2] =	stream.linear.gather [hbm4b:s31+s4], $0x80, $0x38;
	[tilespmem:$0xFD00] =	vst v63  }
0x1a: {  	_ =	swait.ge [sflag:s12], $0x80  }
0x1b: {  	[sflag:s12] =	ssyncset.done $0x0  }
0x1c: {  	[sflag:s12] =	ssyncadd.s32 $0xFFFFFF80  }
0x1d: {  	[tilespmem:s16], [sflag:$0x1] =	stream.indirect.gather [hbm4b:s5+s15], $0x80, s13, s15, $0xb8;
	[tilespmem:$0xFD00] =	vst v63  }
0x1e: {  	_ =	swait.ge [sflag:s17], $0x3C00  }
0x1f: {  	[sflag:s17] =	ssyncset.done $0x0  }
0x20: {  	[sflag:s17] =	ssyncadd.s32 $0xFFFFC400  }
0x21: {  	[spmem:s2] =	stream.indirect.scatter.add.f32 [tilespmem:s16], [sflag:$0x2], $0x80, s14, s15, $0xb8;
	[tilespmem:$0xFD00] =	vst v63  }
0x22: {  	_ =	swait.ge [sflag:s12], $0x3C00  }
0x23: {  	s20 =	simm.s32 $0x20;
	s19 =	simm.s32 $0x10;
	[sflag:s12] =	ssyncset.done $0x0  }
.LBB2_2:
0x24: {  	s21 =	sadd.s32 s19, s9  }
0x25: {  	[sflag:s12] =	ssyncadd.s32 $0xFFFFC400;
	s22 =	smov.u32 s20;
	s23 =	sadd.s32 $0x10, s20  }
0x26: {  	[tilespmem:s13], [sflag:$0x2] =	stream.linear.gather [hbm4b:s21+s4], $0x80, $0x38;
	[tilespmem:$0xFD00] =	vst v63  }
0x27: {  	p0 =	sne.s32 s20, $0x180;
	_ =	swait.ge [sflag:s12], $0x80  }
0x28: {  	[sflag:s12] =	ssyncset.done $0x0  }
0x29: {  	s20 =	sadd.s32 s19, s10;
	s19 =	smov.u32 s22;
	[sflag:s12] =	ssyncadd.s32 $0xFFFFFF80  }
0x2a: {  	[tilespmem:s14], [sflag:$0x2] =	stream.linear.gather [hbm4b:s20+s4], $0x80, $0x38;
	[tilespmem:$0xFD00] =	vst v63  }
0x2b: {  	_ =	swait.ge [sflag:s12], $0x80  }
0x2c: {  	[sflag:s12] =	ssyncset.done $0x0  }
0x2d: {  	[sflag:s12] =	ssyncadd.s32 $0xFFFFFF80  }
0x2e: {  	[tilespmem:s16], [sflag:$0x1] =	stream.indirect.gather [hbm4b:s5+s15], $0x80, s13, s15, $0xb8;
	[tilespmem:$0xFD00] =	vst v63  }
0x2f: {  	_ =	swait.ge [sflag:s17], $0x3C00  }
.Ltmp0:
0x30: {  	[sflag:s17] =	ssyncset.done $0x0;
	(pc) =	sbr.rel @p0 .LBB2_2-.Ltmp0, $4  }
0x31: {  	[sflag:s17] =	ssyncadd.s32 $0xFFFFC400  }
0x32: {  	[spmem:s2] =	stream.indirect.scatter.add.f32 [tilespmem:s16], [sflag:$0x2], $0x80, s14, s15, $0xb8;
	[tilespmem:$0xFD00] =	vst v63  }
0x33: {  	_ =	swait.ge [sflag:s12], $0x3C00  }
0x34: {  	s20 =	smov.u32 s23;
	[sflag:s12] =	ssyncset.done $0x0  }
0x35: {  	s20 =	sadd.s32 s19, s9;
	[sflag:s12] =	ssyncadd.s32 $0xFFFFC400  }
0x36: {  	[tilespmem:s13], [sflag:$0x2] =	stream.linear.gather [hbm4b:s20+s4], $0x80, $0x38;
	[tilespmem:$0xFD00] =	vst v63  }
0x37: {  	_ =	swait.ge [sflag:s12], $0x80  }
0x38: {  	[sflag:s12] =	ssyncset.done $0x0  }
0x39: {  	s31 =	sadd.s32 s19, s10;
	[sflag:s12] =	ssyncadd.s32 $0xFFFFFF80  }
0x3a: {  	[tilespmem:s14], [sflag:$0x2] =	stream.linear.gather [hbm4b:s31+s4], $0x80, $0x38;
	[tilespmem:$0xFD00] =	vst v63  }
0x3b: {  	_ =	swait.ge [sflag:s12], $0x80  }
0x3c: {  	[sflag:s12] =	ssyncset.done $0x0  }
0x3d: {  	[sflag:s12] =	ssyncadd.s32 $0xFFFFFF80  }
0x3e: {  	[tilespmem:s16], [sflag:$0x1] =	stream.indirect.gather [hbm4b:s5+s15], $0x80, s13, s15, $0xb8;
	[tilespmem:$0xFD00] =	vst v63  }
0x3f: {  	_ =	swait.ge [sflag:s17], $0x3C00  }
0x40: {  	[sflag:s17] =	ssyncset.done $0x0  }
0x41: {  	[sflag:s17] =	ssyncadd.s32 $0xFFFFC400  }
0x42: {  	[spmem:s2] =	stream.indirect.scatter.add.f32 [tilespmem:s16], [sflag:$0x2], $0x80, s14, s15, $0xb8;
	[tilespmem:$0xFD00] =	vst v63  }
0x43: {  	_ =	swait.ge [sflag:s12], $0x3C00  }
0x44: {  	s18 =	sadd.s32 $0x1, s18;
	[sflag:s12] =	ssyncset.done $0x0  }
0x45: {  	p0 =	sne.s32 s18, s8;
	[sflag:s12] =	ssyncadd.s32 $0xFFFFC400  }
.Ltmp1:
0x46: {  	[bflag:$0x0] =	sbarrier.arrive $0xFFFF;
	(pc) =	sbr.rel @p0 .LBB2_1-.Ltmp1, $4  }
0x47: {  	[hbm:s7], [sflag:s6] =	dma.local [spmem:s11], $0x1800  }
0x48: {  	_ =	swait.ge [sflag:s12], $0x1800  }
0x49: {  	[sflag:s12] =	ssyncset.done $0x0  }
0x4a: {  	[sflag:s12] =	ssyncadd.s32 $0xFFFFE800  }
0x4b: {  	_ =	sfence.sel $0x180000  }
0x4c: {  	[bflag:$0x0] =	sbarrier.arrive $0xFFFF  }
0x4d: {  	p0 =	sne.s32 s3, $0x0;
	_ =	strace $0x9000004A  }
0x4e: {  	s0 =	sadd.s32 @!p0 $0x100000, s0;
	[bflag:$0x2] =	sbarrier.arrive $0xFFFF  }
0x4f: {  	[sflag:s0] =	ssyncadd.tile.s32 @!p0 $0x1;
	_ =	shalt  }
.Lfunc_end2:
_tile_overlayer_lowered:
.L_overlay_start_2:
0x50: {  	(tag) =	ssettag $0x2  }
0x51: {  	s0 =	rddreg [dreg:$0x0];
	s2 =	stileid.u32  }
0x52: {  	s1 =	rddreg [dreg:$0x1];
	p0 =	sne.s32 s2, $0x0  }
0x53: {  	s3 =	rddreg [dreg:$0x2];
	[bflag:$0x3] =	sbarrier.arrive $0xFFFF;
	s2 =	simm.s32 @!p0 $0x1C02  }
0x54: {  	[timem:s3], [sflag:s2] =	dma.local @!p0 [hbm:s0], s1  }
0x55: {  	s0 =	simm.s32 @!p0 $0x2  }
0x56: {  	_ =	swait.ge @!p0 [sflag:s0], s1  }
0x57: {  	s1 =	ssub.s32 @!p0 $0x0, s1;
	[sflag:s0] =	ssyncset.done @!p0 $0x0  }
0x58: {  	[sflag:s0] =	ssyncadd.s32 @!p0 s1  }
0x59: {  	[bflag:$0x3] =	sbarrier.arrive $0xFFFF  }
0x5a: {  	_ =	shalt  }

// kernel: kernel.7.cloned.1.call-start
scs
__scs_entry_jumppad:
0x0: {  	(pc) =	sbr.rel $0x88, $3  }
0x1: {  	(tag) =	ssettag $0x0;
	lr =	simm.s32 $0x1  }
0x2: {  	[smem:$0x3F96] =	sst lr;
	_ =	strace $0xD0000000  }
0x3: {  	_ = 	snop  }
0x4: {  	_ = 	snop  }
0x5: {  	_ = 	snop  }
0x6: {  	_ = 	snop  }
0x7: {  	_ = 	snop  }
__scs_overlays_trampoline_lowered:
0x8: {  	[smem:$0x3FA5] =	sst s0  }
0x9: {  	[smem:$0x3FA6] =	sst s1  }
0xa: {  	[smem:$0x3FA7] =	sst s2  }
0xb: {  	[smem:$0x3FA8] =	sst s3  }
0xc: {  	[smem:$0x3FA9] =	sst s4  }
0xd: {  	[smem:$0x3FAA] =	sst s5  }
0xe: {  	[smem:$0x3FAB] =	sst s6  }
0xf: {  	[smem:$0x3FAC] =	sst s7  }
0x10: {  	[smem:$0x3FAD] =	sst s8  }
0x11: {  	[smem:$0x3FAE] =	sst s9;
	s0 =	simm.s32 @!p0 $0x0  }
0x12: {  	s1 =	sld [smem:$0x3F94];
	s0 =	simm.s32 @p0 $0x1  }
0x13: {  	[smem:$0x3FAF] =	sst s0;
	s0 =	simm.s32 @!p1 $0x0  }
0x14: {  	s2 =	sld [smem:$0x3F93];
	s0 =	simm.s32 @p1 $0x1  }
0x15: {  	[smem:$0x3FB0] =	sst s0;
	s0 =	simm.s32 @!p2 $0x0  }
0x16: {  	s3 =	sld [smem:$0x3FDB];
	s0 =	simm.s32 @p2 $0x1  }
0x17: {  	s4 =	simm.s32 $0x1BF5;
	[smem:$0x3FB2] =	sst s0  }
0x18: {  	s0 =	sld [smem:$0x3F95];
	_ =	swait.ge [sflag:s4], $0x0  }
0x19: {  	s7 =	sld [smem:$0x3F96]  }
0x1a: {  	s8 =	sadd.s32 $0xFFFFE003, lr  }
0x1b: {  	s9 =	sadd.s32 $0xFFFFFEF7, lr;
	s5 =	simm.s32 $0xFFFFFFFF;
	p2 =	slt.u32 s8, $0xFFFFF086  }
0x1c: {  	p1 =	slt.u32 s9, $0xF7A;
	s5 =	simm.s32 @!p2 $0x0  }
0x1d: {  	s5 =	simm.s32 @p1 $0x1;
	p0 =	seq.s32 s7, s2  }
0x1e: {  	s7 =	smul.u32 @!p0 $0xF7A, s2;
	p2 =	seq.s32 @!p0 s5, $0x0  }
0x1f: {  	s9 =	smul.u32 $0xF7A, s1;
	s8 =	simm.s32 @!p0 $0x1BF5;
	p2 =	por !p2, p0  }
0x20: {  	[sflag:s8] =	ssyncset.s32 @!p0 $0xFFFFF086;
	s6 =	sadd.s32 @!p0 s3, s7;
	s7 =	simm.s32 @!p0 $0x108  }
0x21: {  	s3 =	sadd.s32 s3, s9;
	s6 =	sadd.s32 @!p0 $0x88, s6;
	s7 =	simm.s32 @p2 $0x1082  }
0x22: {  	[simem:s7], [sflag:s8] =	dma.local @!p0 [hbm:s6], $0xF7A  }
0x23: {  	s9 =	sor.u32 $0xD0000000, s2;
	s6 =	simm.s32 $0x108;
	_ =	swait.ge @!p0 [sflag:s8], $0x0  }
0x24: {  	s3 =	sadd.s32 $0x88, s3;
	s6 =	simm.s32 @!p1 $0x1082;
	[sflag:s4] =	ssyncset.s32 $0xFFFFF086  }
0x25: {  	[simem:s6], [sflag:s4] =	dma.local [hbm:s3], $0xF7A  }
0x26: {  	[smem:$0x3F96] =	sst s1;
	(tag) =	ssettag s2;
	_ =	strace s9  }
0x27: {  	s1 =	sld [smem:$0x3FA6]  }
0x28: {  	s2 =	sld [smem:$0x3FA7]  }
0x29: {  	s4 =	sld [smem:$0x3FA9]  }
0x2a: {  	p0 =	seq.s32 s5, $0x0;
	s5 =	sld [smem:$0x3FAA]  }
0x2b: {  	s6 =	sld [smem:$0x3FAB]  }
0x2c: {  	s7 =	sld [smem:$0x3FAC]  }
0x2d: {  	s3 =	simm.s32 $0x108;
	s8 =	sld [smem:$0x3FAD]  }
0x2e: {  	s3 =	simm.s32 @!p0 $0x1082;
	s9 =	sld [smem:$0x3FAE]  }
0x2f: {  	lr =	sadd.s32 s0, s3;
	s0 =	sld [smem:$0x3FA5]  }
0x30: {  	s3 =	sld [smem:$0x3FA8]  }
0x31: {  	[smem:$0x3FB1] =	sst s10  }
0x32: {  	s10 =	sld [smem:$0x3FAF];
	_ =	sdelay $0x3  }
0x33: {  	p0 =	seq.s32 s10, $0x1;
	s10 =	sld [smem:$0x3FB1];
	_ =	sdelay $0x3  }
0x34: {  	[smem:$0x3FB1] =	sst s10  }
0x35: {  	s10 =	sld [smem:$0x3FB0];
	_ =	sdelay $0x3  }
0x36: {  	p1 =	seq.s32 s10, $0x1;
	s10 =	sld [smem:$0x3FB1];
	_ =	sdelay $0x3  }
0x37: {  	[smem:$0x3FB1] =	sst s10  }
0x38: {  	s10 =	sld [smem:$0x3FB2]  }
0x39: {  	_ = 	snop;
	(pc) =	sbr.ind lr, $3  }
0x3a: {  	_ = 	snop  }
0x3b: {  	_ = 	snop  }
0x3c: {  	p2 =	seq.s32 s10, $0x1;
	s10 =	sld [smem:$0x3FB1]  }
0x3d: {  	_ =	shalt  }
0x3e: {  	_ =	shalt  }
0x3f: {  	_ =	shalt  }
0x40: {  	_ =	shalt  }
0x41: {  	_ =	shalt  }
0x42: {  	_ =	shalt  }
0x43: {  	_ =	shalt  }
0x44: {  	_ =	shalt  }
0x45: {  	_ =	shalt  }
0x46: {  	_ =	shalt  }
0x47: {  	_ =	shalt  }
0x48: {  	_ =	shalt  }
0x49: {  	_ =	shalt  }
0x4a: {  	_ =	shalt  }
0x4b: {  	_ =	shalt  }
0x4c: {  	_ =	shalt  }
0x4d: {  	_ =	shalt  }
0x4e: {  	_ =	shalt  }
0x4f: {  	_ =	shalt  }
0x50: {  	_ =	shalt  }
0x51: {  	_ =	shalt  }
0x52: {  	_ =	shalt  }
0x53: {  	_ =	shalt  }
0x54: {  	_ =	shalt  }
0x55: {  	_ =	shalt  }
0x56: {  	_ =	shalt  }
0x57: {  	_ =	shalt  }
0x58: {  	_ =	shalt  }
0x59: {  	_ =	shalt  }
0x5a: {  	_ =	shalt  }
0x5b: {  	_ =	shalt  }
0x5c: {  	_ =	shalt  }
0x5d: {  	_ =	shalt  }
0x5e: {  	_ =	shalt  }
0x5f: {  	_ =	shalt  }
0x60: {  	_ =	shalt  }
0x61: {  	_ =	shalt  }
0x62: {  	_ =	shalt  }
0x63: {  	_ =	shalt  }
0x64: {  	_ =	shalt  }
0x65: {  	_ =	shalt  }
0x66: {  	_ =	shalt  }
0x67: {  	_ =	shalt  }
0x68: {  	_ =	shalt  }
0x69: {  	_ =	shalt  }
0x6a: {  	_ =	shalt  }
0x6b: {  	_ =	shalt  }
0x6c: {  	_ =	shalt  }
0x6d: {  	_ =	shalt  }
0x6e: {  	_ =	shalt  }
0x6f: {  	_ =	shalt  }
0x70: {  	_ =	shalt  }
0x71: {  	_ =	shalt  }
0x72: {  	_ =	shalt  }
0x73: {  	_ =	shalt  }
0x74: {  	_ =	shalt  }
0x75: {  	_ =	shalt  }
0x76: {  	_ =	shalt  }
0x77: {  	_ =	shalt  }
0x78: {  	_ =	shalt  }
0x79: {  	_ =	shalt  }
0x7a: {  	_ =	shalt  }
0x7b: {  	_ =	shalt  }
0x7c: {  	_ =	shalt  }
0x7d: {  	_ =	shalt  }
0x7e: {  	_ =	shalt  }
0x7f: {  	_ =	shalt  }
0x80: {  	_ =	shalt  }
0x81: {  	_ =	shalt  }
0x82: {  	_ =	shalt  }
0x83: {  	_ =	shalt  }
0x84: {  	_ =	shalt  }
0x85: {  	_ =	shalt  }
0x86: {  	_ =	shalt  }
0x87: {  	_ =	shalt  }
.Lfunc_end0:
.L_simem_size_0:
called_computation_lowered:
.L_overlay_start_0:
0x88: {  	s2 =	sld [smem:$0x3FD9]  }
0x89: {  	s3 =	sld [smem:$0x3FFE];
	_ =	sdelay $0x1  }
0x8a: {  	s1 =	srdreg.scid  }
0x8b: {  	s0 =	sand.u32 $0x1, s1  }
0x8c: {  	s17 =	sshll.u32 s0, $0xA;
	s2 =	sadd.s32 s3, s2  }
0x8d: {  	s2 =	sadd.s32 s2, s17  }
0x8e: {  	[smem:$0x3FBD] =	sst s2  }
0x8f: {  	_ = 	snop  }
0x90: {  	s2 =	sld [smem:$0x3FC9]  }
0x91: {  	s18 =	sld [smem:$0x3FD0];
	(tm) =	ssettm $0x1  }
0x92: {  	s4 =	sld [smem:$0x3FFB];
	_ =	sdelay $0x3  }
0x93: {  	_ =	strace s4  }
0x94: {  	s4 =	sld [smem:$0x3FFC];
	_ =	sdelay $0x3  }
0x95: {  	_ =	strace s4  }
0x96: {  	s4 =	sld [smem:$0x3FFD];
	_ =	sdelay $0x3  }
0x97: {  	_ =	strace s4  }
0x98: {  	_ =	strace $0x8FFFFFFF  }
0x99: {  	s19 =	sld [smem:$0x3FDB];
	_ =	sdelay $0x1  }
0x9a: {  	s5 =	simm.s32 $_scs_section_size  }
0x9b: {  	s6 =	simm.s32 $_size__tile_overlayer_lowered;
	s7 =	simm.s32 $_tile_overlayer_lowered  }
0x9c: {  	s22 =	simm.s32 $0x1BFF;
	s21 =	sshll.u32 s7, $0x1;
	s4 =	sadd.s32 s5, s19  }
0x9d: {  	s8 =	simm.s32 $0x0;
	s20 =	sshll.u32 s6, $0x1;
	s6 =	sadd.s32 s21, s4  }
0x9e: {  	[timem:s8], [sflag:s22] =	dma.local [hbm:s6], s20  }
0x9f: {  	_ =	swait.ge [sflag:s22], s20  }
0xa0: {  	s5 =	ssub.s32 $0x0, s20;
	[sflag:s22] =	ssyncset.done $0x0  }
0xa1: {  	[sflag:s22] =	ssyncadd.s32 s5;
	_ =	sdelay $0x1  }
0xa2: {  	s23 =	simm.s32 $0x1B8B  }
0xa3: {  	_ =	swait.ge [sflag:s23], $0x1  }
0xa4: {  	[sflag:s23] =	ssyncset.done $0x0  }
0xa5: {  	s25 =	simm.s32 $0x1B8E;
	s24 =	sld [smem:$0x3FFE];
	[sflag:s23] =	ssyncadd.s32 $0xFFFFFFFF  }
0xa6: {  	s26 =	simm.s32 $execute0_lowered;
	[smem:$0x3FD2] =	sst s25  }
0xa7: {  	s6 =	sshll.u32 s26, $0x1;
	_ =	strace $0x80000046;
	[dreg:$0x1] =	wrdreg $0xFFFFFFFF  }
0xa8: {  	s28 =	simm.s32 $_size_execute0_lowered;
	s4 =	sadd.s32 s4, s6;
	[dreg:$0x0] =	wrdreg $0x0  }
0xa9: {  	s6 =	sshll.u32 s28, $0x1;
	[dreg:$0x2] =	wrdreg s4  }
0xaa: {  	[dreg:$0x3] =	wrdreg s6  }
0xab: {  	[dreg:$0x4] =	wrdreg $0xC0  }
0xac: {  	_ =	task [dreg:s8], $0x5FFFF  }
0xad: {  	[dreg:$0x1] =	wrdreg $0xFFFFFFFF  }
0xae: {  	[dreg:$0x0] =	wrdreg $0x60  }
0xaf: {  	[dreg:$0x2] =	wrdreg s2  }
0xb0: {  	[dreg:$0x3] =	wrdreg s24  }
0xb1: {  	[dreg:$0x4] =	wrdreg s18  }
0xb2: {  	[dreg:$0x5] =	wrdreg $0x0  }
0xb3: {  	[dreg:$0x6] =	wrdreg $0xC0000  }
0xb4: {  	[dreg:$0x7] =	wrdreg $0x9  }
0xb5: {  	_ =	task.clear_ibuf [dreg:s8], $0x8FFFF;
	_ =	strace $0x90000046  }
0xb6: {  	s29 =	simm.s32 $0x9;
	_ =	strace $0x80000048  }
0xb7: {  	_ =	swait.ge [sflag:s29], $0x1  }
0xb8: {  	[sflag:s29] =	ssyncadd.s32 $0xFFFFFFFF  }
0xb9: {  	_ =	strace $0x90000048  }
0xba: {  	_ =	sfence  }
0xbb: {  	s30 =	sld [smem:$0x0];
	_ =	sdelay $0x2  }
0xbc: {  	s31 =	sshll.u32 s1, $0xD;
	s1 =	sshrl.u32 s1, $0x2  }
0xbd: {  	s3 =	sand.u32 $0x4000, s31;
	s1 =	sadd.s32 s1, s30  }
0xbe: {  	s0 =	sor.u32 s3, s0;
	s1 =	sshll.u32 s1, $0x11  }
0xbf: {  	s0 =	sor.u32 s1, s0  }
0xc0: {  	s0 =	sadd.s32 $0x8F2B, s0  }
0xc1: {  	[sflag:s0] =	ssyncadd.remote.s32 $0x1  }
0xc2: {  	_ =	sfence.sel $0xFFFF  }
0xc3: {  	[dreg:$0x0] =	wrdreg $0xFFFFFFFF;
	(pc) =	sbr.abs _section_cstart, $3  }
0xc4: {  	[dreg:$0x1] =	wrdreg $0xFFFFFFFF  }
0xc5: {  	_ =	task.clear_ibuf [dreg:s8], $0x2FFFF;
	_ =	strace $0x9FFFFFFF  }
0xc6: {  	(tm) =	ssettm $0x7FFFFFFF  }
0xc7: {  	_ =	shalt  }
tec
execute0_lowered:
.L_overlay_start_1:
0x0: {  	(tag) =	ssettag $0x1  }
0x1: {  	s1 =	rddreg [dreg:$0x0]  }
0x2: {  	s8 =	rddreg [dreg:$0x1]  }
0x3: {  	s2 =	rddreg [dreg:$0x2]  }
0x4: {  	s4 =	rddreg [dreg:$0x3];
	s0 =	stileid.u32  }
0x5: {  	s3 =	srdreg.scid;
	s5 =	rddreg [dreg:$0x4];
	s6 =	simm.s32 $0x0  }
0x6: {  	s17 =	simm.s32 $0x1BD00;
	s18 =	simm.s32 $0x18000;
	s19 =	simm.s32 $0x18080  }
0x7: {  	s20 =	simm.s32 $0x78;
	s21 =	simm.s32 $0x18100;
	s22 =	simm.s32 $0x1  }
0x8: {  	s23 =	simm.s32 $0x0;
	s9 =	sand.u32 $0x1, s3;
	s3 =	rddreg [dreg:$0x5]  }
0x9: {  	s10 =	smul.u32 $0xC000, s0;
	[smem:$0x7FF] =	sst s6;
	s11 =	sshll.u32 s0, $0xA  }
0xa: {  	s14 =	sshll.u32 s0, $0x6;
	s7 =	smul.u32 $0xC0000, s9;
	_ =	strace $0x80000047  }
0xb: {  	s12 =	sadd.s32 s11, s8;
	s13 =	ssub.s32 $0x2, s9;
	s30 =	sshll.u32 s9, $0x9  }
0xc: {  	s29 =	sshrl.u32 s13, $0x1;
	s15 =	sadd.s32 s10, s4;
	s16 =	sadd.s32 s10, s5  }
0xd: {  	s31 =	sadd.s32 s30, s12;
	s28 =	sadd.s32 s10, s7;
	s7 =	sadd.s32 $0x9C00, s8  }
0xe: {  	s13 =	ssub.s32 s13, s29;
	s12 =	sadd.s32 $0x1C00, s31;
	s11 =	sshrl.u32 s28, $0x3  }
0xf: {  	s16 =	sshrl.u32 s16, $0x3;
	s11 =	sadd.s32 s11, s8;
	s8 =	sor.u32 $0x1C02, s14  }
0x10: {  	s14 =	sshrl.u32 s15, $0x3;
	s15 =	simm.s32 $0x2;
	s9 =	sadd.s32 $0xA400, s11  }
0x11: {  	s10 =	sadd.s32 $0x3A400, s11;
	s11 =	smax.u32 s13, $0x1;
	s13 =	sadd.s32 $0x5C00, s31  }
.LBB2_1:
0x12: {  	[spmem:s14], [sflag:s8] =	dma.local [hbm:s2], $0x1800  }
0x13: {  	_ =	swait.ge [sflag:s15], $0x1800  }
0x14: {  	[sflag:s15] =	ssyncset.done $0x0  }
0x15: {  	[sflag:s15] =	ssyncadd.s32 $0xFFFFE800  }
0x16: {  	[spmem:s16], [sflag:s8] =	dma.local [hbm:s2], $0x1800  }
0x17: {  	_ =	swait.ge [sflag:s15], $0x1800  }
0x18: {  	[sflag:s15] =	ssyncset.done $0x0  }
0x19: {  	[sflag:s15] =	ssyncadd.s32 $0xFFFFE800  }
0x1a: {  	[tilespmem:s17], [sflag:$0x2] =	stream.linear.gather [hbm4b:s7+s6], $0x3C00, $0x38;
	[tilespmem:$0x1F900] =	vst v63  }
0x1b: {  	_ =	swait.ge [sflag:s15], $0x3C00  }
0x1c: {  	[sflag:s15] =	ssyncset.done $0x0  }
0x1d: {  	[sflag:s15] =	ssyncadd.s32 $0xFFFFC400  }
0x1e: {  	s24 =	sadd.s32 $0x0, s12;
	[bflag:$0x0] =	sbarrier.arrive $0xFFFF  }
0x1f: {  	[tilespmem:s18], [sflag:$0x2] =	stream.linear.gather [hbm4b:s24+s6], $0x80, $0x38;
	[tilespmem:$0x1F900] =	vst v63  }
0x20: {  	_ =	swait.ge [sflag:s15], $0x80  }
0x21: {  	[sflag:s15] =	ssyncset.done $0x0  }
0x22: {  	s31 =	sadd.s32 $0x0, s13;
	[sflag:s15] =	ssyncadd.s32 $0xFFFFFF80  }
0x23: {  	[tilespmem:s19], [sflag:$0x2] =	stream.linear.gather [hbm4b:s31+s6], $0x80, $0x38;
	[tilespmem:$0x1F900] =	vst v63  }
0x24: {  	_ =	swait.ge [sflag:s15], $0x80  }
0x25: {  	[sflag:s15] =	ssyncset.done $0x0  }
0x26: {  	[sflag:s15] =	ssyncadd.s32 $0xFFFFFF80  }
0x27: {  	[tilespmem:s21], [sflag:$0x1] =	stream.indirect.gather [hbm4b:s1+s20], $0x80, s18, s20, $0xb8;
	[tilespmem:$0x1F900] =	vst v63  }
0x28: {  	_ =	swait.ge [sflag:s22], $0x3C00  }
0x29: {  	[sflag:s22] =	ssyncset.done $0x0  }
0x2a: {  	[sflag:s22] =	ssyncadd.s32 $0xFFFFC400  }
0x2b: {  	[spmem:s4] =	stream.indirect.scatter.add.f32 [tilespmem:s21], [sflag:$0x2], $0x80, s19, s20, $0xb8;
	[tilespmem:$0x1F900] =	vst v63  }
0x2c: {  	_ =	swait.ge [sflag:s15], $0x3C00  }
0x2d: {  	[sflag:s15] =	ssyncset.done $0x0  }
0x2e: {  	[sflag:s15] =	ssyncadd.s32 $0xFFFFC400  }
0x2f: {  	[spmem:s5] =	stream.indirect.scatter.add.f32 [tilespmem:s17], [sflag:$0x2], $0x80, s19, s20, $0xb8;
	[tilespmem:$0x1F900] =	vst v63  }
0x30: {  	_ =	swait.ge [sflag:s15], $0x3C00  }
0x31: {  	s25 =	simm.s32 $0x20;
	s24 =	simm.s32 $0x10;
	[sflag:s15] =	ssyncset.done $0x0  }
.LBB2_2:
0x32: {  	s26 =	sadd.s32 s24, s12  }
0x33: {  	[sflag:s15] =	ssyncadd.s32 $0xFFFFC400;
	s28 =	smov.u32 s25;
	s29 =	sadd.s32 $0x10, s25  }
0x34: {  	[tilespmem:s18], [sflag:$0x2] =	stream.linear.gather [hbm4b:s26+s6], $0x80, $0x38;
	[tilespmem:$0x1F900] =	vst v63  }
0x35: {  	p0 =	sne.s32 s25, $0x180;
	_ =	swait.ge [sflag:s15], $0x80  }
0x36: {  	[sflag:s15] =	ssyncset.done $0x0  }
0x37: {  	s25 =	sadd.s32 s24, s13;
	s24 =	smov.u32 s28;
	[sflag:s15] =	ssyncadd.s32 $0xFFFFFF80  }
0x38: {  	[tilespmem:s19], [sflag:$0x2] =	stream.linear.gather [hbm4b:s25+s6], $0x80, $0x38;
	[tilespmem:$0x1F900] =	vst v63  }
0x39: {  	_ =	swait.ge [sflag:s15], $0x80  }
0x3a: {  	[sflag:s15] =	ssyncset.done $0x0  }
0x3b: {  	[sflag:s15] =	ssyncadd.s32 $0xFFFFFF80  }
0x3c: {  	[tilespmem:s21], [sflag:$0x1] =	stream.indirect.gather [hbm4b:s1+s20], $0x80, s18, s20, $0xb8;
	[tilespmem:$0x1F900] =	vst v63  }
0x3d: {  	_ =	swait.ge [sflag:s22], $0x3C00  }
0x3e: {  	[sflag:s22] =	ssyncset.done $0x0  }
0x3f: {  	[sflag:s22] =	ssyncadd.s32 $0xFFFFC400  }
0x40: {  	[spmem:s4] =	stream.indirect.scatter.add.f32 [tilespmem:s21], [sflag:$0x2], $0x80, s19, s20, $0xb8;
	[tilespmem:$0x1F900] =	vst v63  }
0x41: {  	_ =	swait.ge [sflag:s15], $0x3C00  }
.Ltmp0:
0x42: {  	[sflag:s15] =	ssyncset.done $0x0;
	(pc) =	sbr.rel @p0 .LBB2_2-.Ltmp0, $4  }
0x43: {  	[sflag:s15] =	ssyncadd.s32 $0xFFFFC400  }
0x44: {  	[spmem:s5] =	stream.indirect.scatter.add.f32 [tilespmem:s17], [sflag:$0x2], $0x80, s19, s20, $0xb8;
	[tilespmem:$0x1F900] =	vst v63  }
0x45: {  	_ =	swait.ge [sflag:s15], $0x3C00  }
0x46: {  	s25 =	smov.u32 s29;
	[sflag:s15] =	ssyncset.done $0x0  }
0x47: {  	s25 =	sadd.s32 s24, s12;
	[sflag:s15] =	ssyncadd.s32 $0xFFFFC400  }
0x48: {  	[tilespmem:s18], [sflag:$0x2] =	stream.linear.gather [hbm4b:s25+s6], $0x80, $0x38;
	[tilespmem:$0x1F900] =	vst v63  }
0x49: {  	_ =	swait.ge [sflag:s15], $0x80  }
0x4a: {  	[sflag:s15] =	ssyncset.done $0x0  }
0x4b: {  	s31 =	sadd.s32 s24, s13;
	[sflag:s15] =	ssyncadd.s32 $0xFFFFFF80  }
0x4c: {  	[tilespmem:s19], [sflag:$0x2] =	stream.linear.gather [hbm4b:s31+s6], $0x80, $0x38;
	[tilespmem:$0x1F900] =	vst v63  }
0x4d: {  	_ =	swait.ge [sflag:s15], $0x80  }
0x4e: {  	[sflag:s15] =	ssyncset.done $0x0  }
0x4f: {  	[sflag:s15] =	ssyncadd.s32 $0xFFFFFF80  }
0x50: {  	[tilespmem:s21], [sflag:$0x1] =	stream.indirect.gather [hbm4b:s1+s20], $0x80, s18, s20, $0xb8;
	[tilespmem:$0x1F900] =	vst v63  }
0x51: {  	_ =	swait.ge [sflag:s22], $0x3C00  }
0x52: {  	[sflag:s22] =	ssyncset.done $0x0  }
0x53: {  	[sflag:s22] =	ssyncadd.s32 $0xFFFFC400  }
0x54: {  	[spmem:s4] =	stream.indirect.scatter.add.f32 [tilespmem:s21], [sflag:$0x2], $0x80, s19, s20, $0xb8;
	[tilespmem:$0x1F900] =	vst v63  }
0x55: {  	_ =	swait.ge [sflag:s15], $0x3C00  }
0x56: {  	[sflag:s15] =	ssyncset.done $0x0  }
0x57: {  	[sflag:s15] =	ssyncadd.s32 $0xFFFFC400  }
0x58: {  	[spmem:s5] =	stream.indirect.scatter.add.f32 [tilespmem:s17], [sflag:$0x2], $0x80, s19, s20, $0xb8;
	[tilespmem:$0x1F900] =	vst v63  }
0x59: {  	_ =	swait.ge [sflag:s15], $0x3C00  }
0x5a: {  	[sflag:s15] =	ssyncset.done $0x0  }
0x5b: {  	[sflag:s15] =	ssyncadd.s32 $0xFFFFC400  }
0x5c: {  	[bflag:$0x0] =	sbarrier.arrive $0xFFFF  }
0x5d: {  	[hbm:s9], [sflag:s8] =	dma.local [spmem:s14], $0x1800  }
0x5e: {  	s23 =	sadd.s32 $0x1, s23;
	_ =	swait.ge [sflag:s15], $0x1800  }
0x5f: {  	p0 =	sne.s32 s23, s11;
	[sflag:s15] =	ssyncset.done $0x0  }
.Ltmp1:
0x60: {  	[sflag:s15] =	ssyncadd.s32 $0xFFFFE800;
	(pc) =	sbr.rel @p0 .LBB2_1-.Ltmp1, $4  }
0x61: {  	[hbm:s10], [sflag:s8] =	dma.local [spmem:s16], $0x1800  }
0x62: {  	_ =	swait.ge [sflag:s15], $0x1800  }
0x63: {  	[sflag:s15] =	ssyncset.done $0x0  }
0x64: {  	[sflag:s15] =	ssyncadd.s32 $0xFFFFE800  }
0x65: {  	_ =	sfence.sel $0x180000  }
0x66: {  	[bflag:$0x0] =	sbarrier.arrive $0xFFFF  }
0x67: {  	p0 =	sne.s32 s0, $0x0;
	_ =	strace $0x90000047  }
0x68: {  	s0 =	sadd.s32 @!p0 $0x100000, s3;
	[bflag:$0x2] =	sbarrier.arrive $0xFFFF  }
0x69: {  	[sflag:s0] =	ssyncadd.tile.s32 @!p0 $0x1;
	_ =	shalt  }
.Lfunc_end2:
_tile_overlayer_lowered:
.L_overlay_start_2:
0x6a: {  	(tag) =	ssettag $0x2  }
0x6b: {  	s0 =	rddreg [dreg:$0x0];
	s2 =	stileid.u32  }
0x6c: {  	s1 =	rddreg [dreg:$0x1];
	p0 =	sne.s32 s2, $0x0  }
0x6d: {  	s3 =	rddreg [dreg:$0x2];
	[bflag:$0x3] =	sbarrier.arrive $0xFFFF;
	s2 =	simm.s32 @!p0 $0x1C02  }
0x6e: {  	[timem:s3], [sflag:s2] =	dma.local @!p0 [hbm:s0], s1  }
0x6f: {  	s0 =	simm.s32 @!p0 $0x2  }
0x70: {  	_ =	swait.ge @!p0 [sflag:s0], s1  }
0x71: {  	s1 =	ssub.s32 @!p0 $0x0, s1;
	[sflag:s0] =	ssyncset.done @!p0 $0x0  }
0x72: {  	[sflag:s0] =	ssyncadd.s32 @!p0 s1  }
0x73: {  	[bflag:$0x3] =	sbarrier.arrive $0xFFFF  }
0x74: {  	_ =	shalt  }

</sc_bundles>
